<compile_context>
chip_gen: v7x
topology: tpu7x:2x2x1
jax: 0.10.2.dev20260603
libtpu: 0.0.44.dev20260713+nightly
codegen_flags: <defaults>
</compile_context>

<pallas_src>
import functools

import jax
import jax.numpy as jnp
from jax import lax
from jax.experimental import pallas as pl
from jax.experimental.pallas import tpu as pltpu
from jax.experimental.pallas import tpu_sc as plsc

VOCAB = 1000000
EMB = 64
B = 16384
NEG = 20

NC = 2
NS = 16
NW = NC * NS
BPW = B // NW
GR = 128
NCH = BPW * NEG // GR


def _sc_gather(in_hbm, out_hbm, tgt_hbm, ctx_hbm, neg_hbm, scat_hbm, zer_hbm,
               t_out, c_out, n_out,
               idx_v, cidx_v, rows_v, acc_sh, nidx_v, sidx_v,
               nbuf0_v, nbuf1_v, tsem, sem0, sem1, ssem):
    sid = lax.axis_index("s")
    wid = sid * NC + lax.axis_index("c")
    base = wid * BPW

    pltpu.sync_copy(tgt_hbm.at[pl.ds(wid * (BPW // GR), BPW // GR)], idx_v)
    pltpu.sync_copy(ctx_hbm.at[pl.ds(wid * (BPW // GR), BPW // GR)], cidx_v)
    tcp = [pltpu.async_copy(in_hbm.at[idx_v.at[j]],
                            rows_v.at[pl.ds(j * GR, GR)], tsem)
           for j in range(BPW // GR)]

    pltpu.sync_copy(zer_hbm, acc_sh.at[pl.ds(sid * BPW, BPW)])
    pltpu.sync_copy(neg_hbm.at[pl.ds(wid * NCH, NCH)], nidx_v)
    pltpu.sync_copy(scat_hbm.at[pl.ds(wid * NCH, NCH)], sidx_v)
    plsc.subcore_barrier()

    def neg_span(lo, hi):
        pltpu.async_copy(out_hbm.at[nidx_v.at[lo]], nbuf0_v, sem0)

        def body(i, carry):
            j = 2 * i
            pltpu.make_async_copy(out_hbm.at[nidx_v.at[j]], nbuf0_v,
                                  sem0).wait()
            pltpu.async_copy(out_hbm.at[nidx_v.at[j + 1]], nbuf1_v, sem1)
            pltpu.async_copy(nbuf0_v, acc_sh.at[sidx_v.at[j]], ssem,
                             add=True).wait()
            pltpu.make_async_copy(out_hbm.at[nidx_v.at[j + 1]], nbuf1_v,
                                  sem1).wait()

            @pl.when(i < hi // 2 - 1)
            def _():
                pltpu.async_copy(out_hbm.at[nidx_v.at[j + 2]], nbuf0_v, sem0)

            pltpu.async_copy(nbuf1_v, acc_sh.at[sidx_v.at[j + 1]], ssem,
                             add=True).wait()
            return carry

        lax.fori_loop(lo // 2, hi // 2, body, 0)

    neg_span(0, NCH // 2)
    for c in tcp:
        c.wait()
    pltpu.sync_copy(rows_v, t_out.at[pl.ds(base, BPW)])
    ccp = [pltpu.async_copy(out_hbm.at[cidx_v.at[j]],
                            rows_v.at[pl.ds(j * GR, GR)], tsem)
           for j in range(BPW // GR)]
    neg_span(NCH // 2, NCH)

    plsc.subcore_barrier()
    pltpu.sync_copy(acc_sh.at[pl.ds(sid * BPW, BPW)], n_out.at[pl.ds(base, BPW)])
    for c in ccp:
        c.wait()
    pltpu.sync_copy(rows_v, c_out.at[pl.ds(base, BPW)])


def _tc_reduce(t_ref, c_ref, n_ref, o_ref):
    t = t_ref[...]
    score = jnp.sum(t * c_ref[...], axis=1)
    neg = jnp.sum(t * n_ref[...], axis=1)
    loss = -(jnp.sum(jax.nn.log_sigmoid(score))
             + jnp.sum(jax.nn.log_sigmoid(-neg)))
    o_ref[...] = jnp.reshape(loss, (1, 1))


def kernel(in_embed, out_embed, target, context, neg_context):
    f32 = jnp.float32
    tgt2 = target.astype(jnp.int32).reshape(B // GR, GR)
    ctx2 = context.astype(jnp.int32).reshape(B // GR, GR)
    neg2 = neg_context.astype(jnp.int32).reshape(B * NEG // GR, GR)
    local = jnp.repeat(jnp.arange(BPW, dtype=jnp.int32), NEG)
    scat2 = ((jnp.arange(NW, dtype=jnp.int32) // NC * BPW)[:, None]
             + local[None, :]).reshape(B * NEG // GR, GR)
    zeros = jnp.zeros((BPW, EMB), f32)

    sc_fn = functools.partial(
        pl.kernel,
        mesh=plsc.VectorSubcoreMesh(core_axis_name="c", subcore_axis_name="s",
                                    num_cores=NC),
        compiler_params=pltpu.CompilerParams(use_tc_tiling_on_sc=False),
        out_type=[jax.ShapeDtypeStruct((B, EMB), f32)] * 3,
        scratch_types=[
            pltpu.VMEM((BPW // GR, GR), jnp.int32),
            pltpu.VMEM((BPW // GR, GR), jnp.int32),
            pltpu.VMEM((BPW, EMB), f32),
            pltpu.VMEM_SHARED((NS * BPW, EMB), f32),
            pltpu.VMEM((NCH, GR), jnp.int32),
            pltpu.VMEM((NCH, GR), jnp.int32),
            pltpu.VMEM((GR, EMB), f32),
            pltpu.VMEM((GR, EMB), f32),
            pltpu.SemaphoreType.DMA,
            pltpu.SemaphoreType.DMA,
            pltpu.SemaphoreType.DMA,
            pltpu.SemaphoreType.DMA,
        ],
    )(_sc_gather)

    t_rows, c_rows, n_sum = sc_fn(in_embed, out_embed, tgt2, ctx2, neg2,
                                  scat2, zeros)

    loss = pl.pallas_call(
        _tc_reduce,
        out_shape=jax.ShapeDtypeStruct((1, 1), f32),
    )(t_rows, c_rows, n_sum)
    return loss[0, 0]

# --- scband reference (transcript-rebuilt; emitter-appended) ---
"""Pipeline reference for scband-skip-gram-76940044141055 (READ-ONLY COPY).

The authoritative reference and input builder live on the scoring server;
editing this copy changes nothing except your own understanding.
"""

import jax, jax.numpy as jnp
import numpy as np

VOCAB = 1000000
EMB = 64
B = 16384
NEG = 20

def setup_inputs(seed: int = 0) -> dict:
    key = jax.random.key(seed)
    k1, k2, k3, k4, k5 = jax.random.split(key, 5)
    initrange = 0.5 / EMB
    in_embed = jax.random.uniform(k1, (VOCAB, EMB), dtype=jnp.float32, minval=-initrange, maxval=initrange)
    # torch init sets out_embed to zeros, which makes the loss degenerate;
    # use small uniform for a meaningful benchmark reference.
    out_embed = jax.random.uniform(k2, (VOCAB, EMB), dtype=jnp.float32, minval=-initrange, maxval=initrange)
    target = jax.random.randint(k3, (B,), 0, VOCAB, dtype=jnp.int64) if jax.config.jax_enable_x64 else jax.random.randint(k3, (B,), 0, VOCAB, dtype=jnp.int32)
    context = jax.random.randint(k4, (B,), 0, VOCAB, dtype=target.dtype)
    neg_context = jax.random.randint(k5, (B, NEG), 0, VOCAB, dtype=target.dtype)
    return {"in_embed": in_embed, "out_embed": out_embed, "target": target, "context": context, "neg_context": neg_context}

def reference(in_embed, out_embed, target, context, neg_context):
    emb_target = jnp.take(in_embed, target, axis=0)          # [B, D]
    emb_context = jnp.take(out_embed, context, axis=0)       # [B, D]
    emb_neg_context = jnp.take(out_embed, neg_context, axis=0)  # [B, K, D]
    score = jnp.sum(emb_target * emb_context, axis=1)        # [B]
    score = jax.nn.log_sigmoid(score)
    neg_score = jnp.einsum('bkd,bd->bk', emb_neg_context, emb_target)  # bmm + squeeze
    neg_score = jnp.sum(neg_score, axis=1)  # NOTE: torch sums logsigmoid over K; here sum dim=1 of [B,K] after bmm squeeze
    # faithful to torch: neg_score summed over K AFTER squeeze, then logsigmoid? No ---
    # torch: neg_score = bmm(...).squeeze() -> [B,K]; sum(dim=1) -> [B]; logsigmoid(-neg_score)
    neg_score = jax.nn.log_sigmoid(-1.0 * neg_score)
    return -1.0 * (jnp.sum(score) + jnp.sum(neg_score))

if __name__ == "__main__":
    import jax
    _d = setup_inputs()
    print(jax.jit(kernel)(*tuple(_d.values())))

</pallas_src>

<mosaic_0001>
#map = affine_map<(d0, d1) -> (0, 0)>
module attributes {stable_mosaic.version = 14 : i64} {
  func.func @_sc_gather(%arg0: i32, %arg1: i32, %arg2: memref<1000000x64xf32, #tpu.memory_space<hbm>>, %arg3: memref<1000000x64xf32, #tpu.memory_space<hbm>>, %arg4: memref<128x128xi32, #tpu.memory_space<hbm>>, %arg5: memref<128x128xi32, #tpu.memory_space<hbm>>, %arg6: memref<2560x128xi32, #tpu.memory_space<hbm>>, %arg7: memref<2560x128xi32, #tpu.memory_space<hbm>>, %arg8: memref<512x64xf32, #tpu.memory_space<hbm>>, %arg9: memref<16384x64xf32, #tpu.memory_space<hbm>>, %arg10: memref<16384x64xf32, #tpu.memory_space<hbm>>, %arg11: memref<16384x64xf32, #tpu.memory_space<hbm>>, %arg12: memref<4x128xi32, #tpu.memory_space<vmem>>, %arg13: memref<4x128xi32, #tpu.memory_space<vmem>>, %arg14: memref<512x64xf32, #tpu.memory_space<vmem>>, %arg15: memref<8192x64xf32, #tpu.memory_space<vmem_shared>>, %arg16: memref<80x128xi32, #tpu.memory_space<vmem>>, %arg17: memref<80x128xi32, #tpu.memory_space<vmem>>, %arg18: memref<128x64xf32, #tpu.memory_space<vmem>>, %arg19: memref<128x64xf32, #tpu.memory_space<vmem>>, %arg20: memref<!tpu.dma_semaphore, #tpu.memory_space<semaphore_mem>>, %arg21: memref<!tpu.dma_semaphore, #tpu.memory_space<semaphore_mem>>, %arg22: memref<!tpu.dma_semaphore, #tpu.memory_space<semaphore_mem>>, %arg23: memref<!tpu.dma_semaphore, #tpu.memory_space<semaphore_mem>>) attributes {dimension_semantics = [#tpu.dimension_semantics<core_parallel>, #tpu.dimension_semantics<subcore_parallel>], iteration_bounds = array<i64: 2, 16>, scalar_prefetch = 0 : i64, scratch_operands = 12 : i64, tpu.core_type = #tpu.core_type<sc_vector_subcore>, window_params = [{transform_indices = #map}, {transform_indices = #map}, {transform_indices = #map}, {transform_indices = #map}, {transform_indices = #map}, {transform_indices = #map}, {transform_indices = #map}, {transform_indices = #map}, {transform_indices = #map}, {transform_indices = #map}]} {
    %mul3A = arith.constant 2 : i32
    %mul3A_0 = arith.muli %arg1, %mul3A : i32
    %add3A = arith.addi %mul3A_0, %arg0 : i32
    %mul3A_1 = arith.constant 512 : i32
    %mul3A_2 = arith.muli %add3A, %mul3A_1 : i32
    %mul3A_3 = arith.constant 4 : i32
    %mul3A_4 = arith.muli %add3A, %mul3A_3 : i32
    "tpu.region"() ({
      %run_scoped3A = tpu.sem_alloc : memref<!tpu.dma_semaphore, #tpu.memory_space<semaphore_mem>>
      %dma_start3A_199 = arith.constant 0 : i32
      %dma_start3A_200 = tpu.memref_slice %arg4[%mul3A_4, %dma_start3A_199] : memref<128x128xi32, #tpu.memory_space<hbm>> -> memref<4x128xi32, #tpu.memory_space<hbm>>
      %dma_start3A_201 = arith.constant 0 : i32
      %dma_start3A_202 = tpu.memref_slice %arg4[%mul3A_4, %dma_start3A_201] : memref<128x128xi32, #tpu.memory_space<hbm>> -> memref<4x128xi32, #tpu.memory_space<hbm>>
      tpu.enqueue_dma source(%dma_start3A_202 : memref<4x128xi32, #tpu.memory_space<hbm>>) target(%arg12 : memref<4x128xi32, #tpu.memory_space<vmem>>) target_semaphore(%run_scoped3A : memref<!tpu.dma_semaphore, #tpu.memory_space<semaphore_mem>>)
      %dma_wait3A_203 = arith.constant 0 : i32
      %dma_wait3A_204 = tpu.memref_slice %arg4[%mul3A_4, %dma_wait3A_203] : memref<128x128xi32, #tpu.memory_space<hbm>> -> memref<4x128xi32, #tpu.memory_space<hbm>>
      %dma_wait3A_205 = arith.constant 0 : i32
      %dma_wait3A_206 = tpu.memref_slice %arg4[%mul3A_4, %dma_wait3A_205] : memref<128x128xi32, #tpu.memory_space<hbm>> -> memref<4x128xi32, #tpu.memory_space<hbm>>
      tpu.wait_dma2 semaphore(%run_scoped3A : memref<!tpu.dma_semaphore, #tpu.memory_space<semaphore_mem>>) src(%dma_wait3A_206 : memref<4x128xi32, #tpu.memory_space<hbm>>) dst(%arg12 : memref<4x128xi32, #tpu.memory_space<vmem>>)
      tpu.yield
    }) : () -> ()
    %mul3A_5 = arith.constant 4 : i32
    %mul3A_6 = arith.muli %add3A, %mul3A_5 : i32
    "tpu.region"() ({
      %run_scoped3A = tpu.sem_alloc : memref<!tpu.dma_semaphore, #tpu.memory_space<semaphore_mem>>
      %dma_start3A_199 = arith.constant 0 : i32
      %dma_start3A_200 = tpu.memref_slice %arg5[%mul3A_6, %dma_start3A_199] : memref<128x128xi32, #tpu.memory_space<hbm>> -> memref<4x128xi32, #tpu.memory_space<hbm>>
      %dma_start3A_201 = arith.constant 0 : i32
      %dma_start3A_202 = tpu.memref_slice %arg5[%mul3A_6, %dma_start3A_201] : memref<128x128xi32, #tpu.memory_space<hbm>> -> memref<4x128xi32, #tpu.memory_space<hbm>>
      tpu.enqueue_dma source(%dma_start3A_202 : memref<4x128xi32, #tpu.memory_space<hbm>>) target(%arg13 : memref<4x128xi32, #tpu.memory_space<vmem>>) target_semaphore(%run_scoped3A : memref<!tpu.dma_semaphore, #tpu.memory_space<semaphore_mem>>)
      %dma_wait3A_203 = arith.constant 0 : i32
      %dma_wait3A_204 = tpu.memref_slice %arg5[%mul3A_6, %dma_wait3A_203] : memref<128x128xi32, #tpu.memory_space<hbm>> -> memref<4x128xi32, #tpu.memory_space<hbm>>
      %dma_wait3A_205 = arith.constant 0 : i32
      %dma_wait3A_206 = tpu.memref_slice %arg5[%mul3A_6, %dma_wait3A_205] : memref<128x128xi32, #tpu.memory_space<hbm>> -> memref<4x128xi32, #tpu.memory_space<hbm>>
      tpu.wait_dma2 semaphore(%run_scoped3A : memref<!tpu.dma_semaphore, #tpu.memory_space<semaphore_mem>>) src(%dma_wait3A_206 : memref<4x128xi32, #tpu.memory_space<hbm>>) dst(%arg13 : memref<4x128xi32, #tpu.memory_space<vmem>>)
      tpu.yield
    }) : () -> ()
    %dma_start3A = arith.constant 0 : i32
    %dma_start3A_7 = arith.constant 0 : i32
    %dma_start3A_8 = arith.constant 0 : i32
    %dma_start3A_9 = tpu.memref_slice %arg14[%dma_start3A_7, %dma_start3A_8] : memref<512x64xf32, #tpu.memory_space<vmem>> -> memref<128x64xf32, #tpu.memory_space<vmem>>
    %dma_start3A_10 = arith.constant 0 : i32
    %dma_start3A_11 = tpu.memref_slice %arg12[%dma_start3A, %dma_start3A_10] : memref<4x128xi32, #tpu.memory_space<vmem>> -> memref<1x128xi32, #tpu.memory_space<vmem>>
    %dma_start3A_12 = tpu.memref_squeeze %dma_start3A_11 : memref<1x128xi32, #tpu.memory_space<vmem>> -> memref<128xi32, #tpu.memory_space<vmem>>
    %dma_start3A_13 = arith.constant 0 : i32
    %dma_start3A_14 = arith.constant 0 : i32
    %dma_start3A_15 = tpu.memref_slice %arg2[%dma_start3A_13, %dma_start3A_14] : memref<1000000x64xf32, #tpu.memory_space<hbm>> -> memref<1000000x64xf32, #tpu.memory_space<hbm>>
    tpu.enqueue_indirect_dma source(%dma_start3A_15 : memref<1000000x64xf32, #tpu.memory_space<hbm>>) target(%dma_start3A_9 : memref<128x64xf32, #tpu.memory_space<vmem>>) offsets(%dma_start3A_12 : memref<128xi32, #tpu.memory_space<vmem>>) semaphore(%arg20 : memref<!tpu.dma_semaphore, #tpu.memory_space<semaphore_mem>>)
    %dma_start3A_16 = arith.constant 1 : i32
    %dma_start3A_17 = arith.constant 128 : i32
    %dma_start3A_18 = arith.constant 0 : i32
    %dma_start3A_19 = tpu.memref_slice %arg14[%dma_start3A_17, %dma_start3A_18] : memref<512x64xf32, #tpu.memory_space<vmem>> -> memref<128x64xf32, #tpu.memory_space<vmem>>
    %dma_start3A_20 = arith.constant 0 : i32
    %dma_start3A_21 = tpu.memref_slice %arg12[%dma_start3A_16, %dma_start3A_20] : memref<4x128xi32, #tpu.memory_space<vmem>> -> memref<1x128xi32, #tpu.memory_space<vmem>>
    %dma_start3A_22 = tpu.memref_squeeze %dma_start3A_21 : memref<1x128xi32, #tpu.memory_space<vmem>> -> memref<128xi32, #tpu.memory_space<vmem>>
    %dma_start3A_23 = arith.constant 0 : i32
    %dma_start3A_24 = arith.constant 0 : i32
    %dma_start3A_25 = tpu.memref_slice %arg2[%dma_start3A_23, %dma_start3A_24] : memref<1000000x64xf32, #tpu.memory_space<hbm>> -> memref<1000000x64xf32, #tpu.memory_space<hbm>>
    tpu.enqueue_indirect_dma source(%dma_start3A_25 : memref<1000000x64xf32, #tpu.memory_space<hbm>>) target(%dma_start3A_19 : memref<128x64xf32, #tpu.memory_space<vmem>>) offsets(%dma_start3A_22 : memref<128xi32, #tpu.memory_space<vmem>>) semaphore(%arg20 : memref<!tpu.dma_semaphore, #tpu.memory_space<semaphore_mem>>)
    %dma_start3A_26 = arith.constant 2 : i32
    %dma_start3A_27 = arith.constant 256 : i32
    %dma_start3A_28 = arith.constant 0 : i32
    %dma_start3A_29 = tpu.memref_slice %arg14[%dma_start3A_27, %dma_start3A_28] : memref<512x64xf32, #tpu.memory_space<vmem>> -> memref<128x64xf32, #tpu.memory_space<vmem>>
    %dma_start3A_30 = arith.constant 0 : i32
    %dma_start3A_31 = tpu.memref_slice %arg12[%dma_start3A_26, %dma_start3A_30] : memref<4x128xi32, #tpu.memory_space<vmem>> -> memref<1x128xi32, #tpu.memory_space<vmem>>
    %dma_start3A_32 = tpu.memref_squeeze %dma_start3A_31 : memref<1x128xi32, #tpu.memory_space<vmem>> -> memref<128xi32, #tpu.memory_space<vmem>>
    %dma_start3A_33 = arith.constant 0 : i32
    %dma_start3A_34 = arith.constant 0 : i32
    %dma_start3A_35 = tpu.memref_slice %arg2[%dma_start3A_33, %dma_start3A_34] : memref<1000000x64xf32, #tpu.memory_space<hbm>> -> memref<1000000x64xf32, #tpu.memory_space<hbm>>
    tpu.enqueue_indirect_dma source(%dma_start3A_35 : memref<1000000x64xf32, #tpu.memory_space<hbm>>) target(%dma_start3A_29 : memref<128x64xf32, #tpu.memory_space<vmem>>) offsets(%dma_start3A_32 : memref<128xi32, #tpu.memory_space<vmem>>) semaphore(%arg20 : memref<!tpu.dma_semaphore, #tpu.memory_space<semaphore_mem>>)
    %dma_start3A_36 = arith.constant 3 : i32
    %dma_start3A_37 = arith.constant 384 : i32
    %dma_start3A_38 = arith.constant 0 : i32
    %dma_start3A_39 = tpu.memref_slice %arg14[%dma_start3A_37, %dma_start3A_38] : memref<512x64xf32, #tpu.memory_space<vmem>> -> memref<128x64xf32, #tpu.memory_space<vmem>>
    %dma_start3A_40 = arith.constant 0 : i32
    %dma_start3A_41 = tpu.memref_slice %arg12[%dma_start3A_36, %dma_start3A_40] : memref<4x128xi32, #tpu.memory_space<vmem>> -> memref<1x128xi32, #tpu.memory_space<vmem>>
    %dma_start3A_42 = tpu.memref_squeeze %dma_start3A_41 : memref<1x128xi32, #tpu.memory_space<vmem>> -> memref<128xi32, #tpu.memory_space<vmem>>
    %dma_start3A_43 = arith.constant 0 : i32
    %dma_start3A_44 = arith.constant 0 : i32
    %dma_start3A_45 = tpu.memref_slice %arg2[%dma_start3A_43, %dma_start3A_44] : memref<1000000x64xf32, #tpu.memory_space<hbm>> -> memref<1000000x64xf32, #tpu.memory_space<hbm>>
    tpu.enqueue_indirect_dma source(%dma_start3A_45 : memref<1000000x64xf32, #tpu.memory_space<hbm>>) target(%dma_start3A_39 : memref<128x64xf32, #tpu.memory_space<vmem>>) offsets(%dma_start3A_42 : memref<128xi32, #tpu.memory_space<vmem>>) semaphore(%arg20 : memref<!tpu.dma_semaphore, #tpu.memory_space<semaphore_mem>>)
    %mul3A_46 = arith.constant 512 : i32
    %mul3A_47 = arith.muli %arg1, %mul3A_46 : i32
    "tpu.region"() ({
      %run_scoped3A = tpu.sem_alloc : memref<!tpu.dma_semaphore, #tpu.memory_space<semaphore_mem>>
      %dma_start3A_199 = arith.constant 0 : i32
      %dma_start3A_200 = tpu.memref_slice %arg15[%mul3A_47, %dma_start3A_199] : memref<8192x64xf32, #tpu.memory_space<vmem_shared>> -> memref<512x64xf32, #tpu.memory_space<vmem_shared>>
      tpu.enqueue_dma source(%arg8 : memref<512x64xf32, #tpu.memory_space<hbm>>) target(%dma_start3A_200 : memref<512x64xf32, #tpu.memory_space<vmem_shared>>) target_semaphore(%run_scoped3A : memref<!tpu.dma_semaphore, #tpu.memory_space<semaphore_mem>>)
      %dma_wait3A_201 = arith.constant 0 : i32
      %dma_wait3A_202 = tpu.memref_slice %arg15[%mul3A_47, %dma_wait3A_201] : memref<8192x64xf32, #tpu.memory_space<vmem_shared>> -> memref<512x64xf32, #tpu.memory_space<vmem_shared>>
      tpu.wait_dma2 semaphore(%run_scoped3A : memref<!tpu.dma_semaphore, #tpu.memory_space<semaphore_mem>>) src(%arg8 : memref<512x64xf32, #tpu.memory_space<hbm>>) dst(%dma_wait3A_202 : memref<512x64xf32, #tpu.memory_space<vmem_shared>>)
      tpu.yield
    }) : () -> ()
    %mul3A_48 = arith.constant 80 : i32
    %mul3A_49 = arith.muli %add3A, %mul3A_48 : i32
    "tpu.region"() ({
      %run_scoped3A = tpu.sem_alloc : memref<!tpu.dma_semaphore, #tpu.memory_space<semaphore_mem>>
      %dma_start3A_199 = arith.constant 0 : i32
      %dma_start3A_200 = tpu.memref_slice %arg6[%mul3A_49, %dma_start3A_199] : memref<2560x128xi32, #tpu.memory_space<hbm>> -> memref<80x128xi32, #tpu.memory_space<hbm>>
      %dma_start3A_201 = arith.constant 0 : i32
      %dma_start3A_202 = tpu.memref_slice %arg6[%mul3A_49, %dma_start3A_201] : memref<2560x128xi32, #tpu.memory_space<hbm>> -> memref<80x128xi32, #tpu.memory_space<hbm>>
      tpu.enqueue_dma source(%dma_start3A_202 : memref<80x128xi32, #tpu.memory_space<hbm>>) target(%arg16 : memref<80x128xi32, #tpu.memory_space<vmem>>) target_semaphore(%run_scoped3A : memref<!tpu.dma_semaphore, #tpu.memory_space<semaphore_mem>>)
      %dma_wait3A_203 = arith.constant 0 : i32
      %dma_wait3A_204 = tpu.memref_slice %arg6[%mul3A_49, %dma_wait3A_203] : memref<2560x128xi32, #tpu.memory_space<hbm>> -> memref<80x128xi32, #tpu.memory_space<hbm>>
      %dma_wait3A_205 = arith.constant 0 : i32
      %dma_wait3A_206 = tpu.memref_slice %arg6[%mul3A_49, %dma_wait3A_205] : memref<2560x128xi32, #tpu.memory_space<hbm>> -> memref<80x128xi32, #tpu.memory_space<hbm>>
      tpu.wait_dma2 semaphore(%run_scoped3A : memref<!tpu.dma_semaphore, #tpu.memory_space<semaphore_mem>>) src(%dma_wait3A_206 : memref<80x128xi32, #tpu.memory_space<hbm>>) dst(%arg16 : memref<80x128xi32, #tpu.memory_space<vmem>>)
      tpu.yield
    }) : () -> ()
    %mul3A_50 = arith.constant 80 : i32
    %mul3A_51 = arith.muli %add3A, %mul3A_50 : i32
    "tpu.region"() ({
      %run_scoped3A = tpu.sem_alloc : memref<!tpu.dma_semaphore, #tpu.memory_space<semaphore_mem>>
      %dma_start3A_199 = arith.constant 0 : i32
      %dma_start3A_200 = tpu.memref_slice %arg7[%mul3A_51, %dma_start3A_199] : memref<2560x128xi32, #tpu.memory_space<hbm>> -> memref<80x128xi32, #tpu.memory_space<hbm>>
      %dma_start3A_201 = arith.constant 0 : i32
      %dma_start3A_202 = tpu.memref_slice %arg7[%mul3A_51, %dma_start3A_201] : memref<2560x128xi32, #tpu.memory_space<hbm>> -> memref<80x128xi32, #tpu.memory_space<hbm>>
      tpu.enqueue_dma source(%dma_start3A_202 : memref<80x128xi32, #tpu.memory_space<hbm>>) target(%arg17 : memref<80x128xi32, #tpu.memory_space<vmem>>) target_semaphore(%run_scoped3A : memref<!tpu.dma_semaphore, #tpu.memory_space<semaphore_mem>>)
      %dma_wait3A_203 = arith.constant 0 : i32
      %dma_wait3A_204 = tpu.memref_slice %arg7[%mul3A_51, %dma_wait3A_203] : memref<2560x128xi32, #tpu.memory_space<hbm>> -> memref<80x128xi32, #tpu.memory_space<hbm>>
      %dma_wait3A_205 = arith.constant 0 : i32
      %dma_wait3A_206 = tpu.memref_slice %arg7[%mul3A_51, %dma_wait3A_205] : memref<2560x128xi32, #tpu.memory_space<hbm>> -> memref<80x128xi32, #tpu.memory_space<hbm>>
      tpu.wait_dma2 semaphore(%run_scoped3A : memref<!tpu.dma_semaphore, #tpu.memory_space<semaphore_mem>>) src(%dma_wait3A_206 : memref<80x128xi32, #tpu.memory_space<hbm>>) dst(%arg17 : memref<80x128xi32, #tpu.memory_space<vmem>>)
      tpu.yield
    }) : () -> ()
    %barrier3A = arith.constant 0 : index
    tpu.barrier barrier_id(%barrier3A)
    %dma_start3A_52 = arith.constant 0 : i32
    %dma_start3A_53 = arith.constant 0 : i32
    %dma_start3A_54 = tpu.memref_slice %arg16[%dma_start3A_52, %dma_start3A_53] : memref<80x128xi32, #tpu.memory_space<vmem>> -> memref<1x128xi32, #tpu.memory_space<vmem>>
    %dma_start3A_55 = tpu.memref_squeeze %dma_start3A_54 : memref<1x128xi32, #tpu.memory_space<vmem>> -> memref<128xi32, #tpu.memory_space<vmem>>
    %dma_start3A_56 = arith.constant 0 : i32
    %dma_start3A_57 = arith.constant 0 : i32
    %dma_start3A_58 = tpu.memref_slice %arg3[%dma_start3A_56, %dma_start3A_57] : memref<1000000x64xf32, #tpu.memory_space<hbm>> -> memref<1000000x64xf32, #tpu.memory_space<hbm>>
    tpu.enqueue_indirect_dma source(%dma_start3A_58 : memref<1000000x64xf32, #tpu.memory_space<hbm>>) target(%arg18 : memref<128x64xf32, #tpu.memory_space<vmem>>) offsets(%dma_start3A_55 : memref<128xi32, #tpu.memory_space<vmem>>) semaphore(%arg21 : memref<!tpu.dma_semaphore, #tpu.memory_space<semaphore_mem>>)
    %scan3A = arith.constant 0 : i32
    %scan3A_59 = arith.constant 0 : i32
    %scan3A_60 = arith.constant 20 : i32
    %scan3A_61 = arith.addi %scan3A_59, %scan3A_60 : i32
    %scan3A_62 = arith.constant 1 : i32
    scf.for %scan3A_199 = %scan3A_59 to %scan3A_61 step %scan3A_62  : i32 {
      %mul3A_200 = arith.constant 2 : i32
      %mul3A_201 = arith.muli %mul3A_200, %scan3A_199 : i32
      %dma_wait3A_202 = arith.constant 0 : i32
      %dma_wait3A_203 = tpu.memref_slice %arg16[%mul3A_201, %dma_wait3A_202] : memref<80x128xi32, #tpu.memory_space<vmem>> -> memref<1x128xi32, #tpu.memory_space<vmem>>
      %dma_wait3A_204 = tpu.memref_squeeze %dma_wait3A_203 : memref<1x128xi32, #tpu.memory_space<vmem>> -> memref<128xi32, #tpu.memory_space<vmem>>
      %dma_wait3A_205 = arith.constant 0 : i32
      %dma_wait3A_206 = arith.constant 0 : i32
      %dma_wait3A_207 = tpu.memref_slice %arg3[%dma_wait3A_205, %dma_wait3A_206] : memref<1000000x64xf32, #tpu.memory_space<hbm>> -> memref<1000000x64xf32, #tpu.memory_space<hbm>>
      tpu.wait_indirect_dma semaphore(%arg21 : memref<!tpu.dma_semaphore, #tpu.memory_space<semaphore_mem>>) src(%dma_wait3A_207 : memref<1000000x64xf32, #tpu.memory_space<hbm>>) dst(%arg18 : memref<128x64xf32, #tpu.memory_space<vmem>>)
      %add3A_208 = arith.constant 1 : i32
      %add3A_209 = arith.addi %mul3A_201, %add3A_208 : i32
      %dma_start3A_210 = arith.constant 0 : i32
      %dma_start3A_211 = tpu.memref_slice %arg16[%add3A_209, %dma_start3A_210] : memref<80x128xi32, #tpu.memory_space<vmem>> -> memref<1x128xi32, #tpu.memory_space<vmem>>
      %dma_start3A_212 = tpu.memref_squeeze %dma_start3A_211 : memref<1x128xi32, #tpu.memory_space<vmem>> -> memref<128xi32, #tpu.memory_space<vmem>>
      %dma_start3A_213 = arith.constant 0 : i32
      %dma_start3A_214 = arith.constant 0 : i32
      %dma_start3A_215 = tpu.memref_slice %arg3[%dma_start3A_213, %dma_start3A_214] : memref<1000000x64xf32, #tpu.memory_space<hbm>> -> memref<1000000x64xf32, #tpu.memory_space<hbm>>
      tpu.enqueue_indirect_dma source(%dma_start3A_215 : memref<1000000x64xf32, #tpu.memory_space<hbm>>) target(%arg19 : memref<128x64xf32, #tpu.memory_space<vmem>>) offsets(%dma_start3A_212 : memref<128xi32, #tpu.memory_space<vmem>>) semaphore(%arg22 : memref<!tpu.dma_semaphore, #tpu.memory_space<semaphore_mem>>)
      %dma_start3A_216 = arith.constant 0 : i32
      %dma_start3A_217 = tpu.memref_slice %arg17[%mul3A_201, %dma_start3A_216] : memref<80x128xi32, #tpu.memory_space<vmem>> -> memref<1x128xi32, #tpu.memory_space<vmem>>
      %dma_start3A_218 = tpu.memref_squeeze %dma_start3A_217 : memref<1x128xi32, #tpu.memory_space<vmem>> -> memref<128xi32, #tpu.memory_space<vmem>>
      %dma_start3A_219 = arith.constant 0 : i32
      %dma_start3A_220 = arith.constant 0 : i32
      %dma_start3A_221 = tpu.memref_slice %arg15[%dma_start3A_219, %dma_start3A_220] : memref<8192x64xf32, #tpu.memory_space<vmem_shared>> -> memref<8192x64xf32, #tpu.memory_space<vmem_shared>>
      tpu.enqueue_indirect_dma source(%arg18 : memref<128x64xf32, #tpu.memory_space<vmem>>) target(%dma_start3A_221 : memref<8192x64xf32, #tpu.memory_space<vmem_shared>>) offsets(%dma_start3A_218 : memref<128xi32, #tpu.memory_space<vmem>>) semaphore(%arg23 : memref<!tpu.dma_semaphore, #tpu.memory_space<semaphore_mem>>) {add = true}
      %dma_wait3A_222 = arith.constant 0 : i32
      %dma_wait3A_223 = tpu.memref_slice %arg17[%mul3A_201, %dma_wait3A_222] : memref<80x128xi32, #tpu.memory_space<vmem>> -> memref<1x128xi32, #tpu.memory_space<vmem>>
      %dma_wait3A_224 = tpu.memref_squeeze %dma_wait3A_223 : memref<1x128xi32, #tpu.memory_space<vmem>> -> memref<128xi32, #tpu.memory_space<vmem>>
      %dma_wait3A_225 = arith.constant 0 : i32
      %dma_wait3A_226 = arith.constant 0 : i32
      %dma_wait3A_227 = tpu.memref_slice %arg15[%dma_wait3A_225, %dma_wait3A_226] : memref<8192x64xf32, #tpu.memory_space<vmem_shared>> -> memref<8192x64xf32, #tpu.memory_space<vmem_shared>>
      tpu.wait_indirect_dma semaphore(%arg23 : memref<!tpu.dma_semaphore, #tpu.memory_space<semaphore_mem>>) src(%arg18 : memref<128x64xf32, #tpu.memory_space<vmem>>) dst(%dma_wait3A_227 : memref<8192x64xf32, #tpu.memory_space<vmem_shared>>)
      %add3A_228 = arith.constant 1 : i32
      %add3A_229 = arith.addi %mul3A_201, %add3A_228 : i32
      %dma_wait3A_230 = arith.constant 0 : i32
      %dma_wait3A_231 = tpu.memref_slice %arg16[%add3A_229, %dma_wait3A_230] : memref<80x128xi32, #tpu.memory_space<vmem>> -> memref<1x128xi32, #tpu.memory_space<vmem>>
      %dma_wait3A_232 = tpu.memref_squeeze %dma_wait3A_231 : memref<1x128xi32, #tpu.memory_space<vmem>> -> memref<128xi32, #tpu.memory_space<vmem>>
      %dma_wait3A_233 = arith.constant 0 : i32
      %dma_wait3A_234 = arith.constant 0 : i32
      %dma_wait3A_235 = tpu.memref_slice %arg3[%dma_wait3A_233, %dma_wait3A_234] : memref<1000000x64xf32, #tpu.memory_space<hbm>> -> memref<1000000x64xf32, #tpu.memory_space<hbm>>
      tpu.wait_indirect_dma semaphore(%arg22 : memref<!tpu.dma_semaphore, #tpu.memory_space<semaphore_mem>>) src(%dma_wait3A_235 : memref<1000000x64xf32, #tpu.memory_space<hbm>>) dst(%arg19 : memref<128x64xf32, #tpu.memory_space<vmem>>)
      %lt3A = arith.constant 19 : i32
      %lt3A_236 = arith.cmpi slt, %scan3A_199, %lt3A : i32
      %convert_element_type3A = arith.extui %lt3A_236 : i1 to i32
      %cond3A = arith.constant 0 : i32
      %cond3A_237 = arith.cmpi ne, %convert_element_type3A, %cond3A : i32
      scf.if %cond3A_237 {
        %add3A_252 = arith.constant 2 : i32
        %add3A_253 = arith.addi %mul3A_201, %add3A_252 : i32
        %dma_start3A_254 = arith.constant 0 : i32
        %dma_start3A_255 = tpu.memref_slice %arg16[%add3A_253, %dma_start3A_254] : memref<80x128xi32, #tpu.memory_space<vmem>> -> memref<1x128xi32, #tpu.memory_space<vmem>>
        %dma_start3A_256 = tpu.memref_squeeze %dma_start3A_255 : memref<1x128xi32, #tpu.memory_space<vmem>> -> memref<128xi32, #tpu.memory_space<vmem>>
        %dma_start3A_257 = arith.constant 0 : i32
        %dma_start3A_258 = arith.constant 0 : i32
        %dma_start3A_259 = tpu.memref_slice %arg3[%dma_start3A_257, %dma_start3A_258] : memref<1000000x64xf32, #tpu.memory_space<hbm>> -> memref<1000000x64xf32, #tpu.memory_space<hbm>>
        tpu.enqueue_indirect_dma source(%dma_start3A_259 : memref<1000000x64xf32, #tpu.memory_space<hbm>>) target(%arg18 : memref<128x64xf32, #tpu.memory_space<vmem>>) offsets(%dma_start3A_256 : memref<128xi32, #tpu.memory_space<vmem>>) semaphore(%arg21 : memref<!tpu.dma_semaphore, #tpu.memory_space<semaphore_mem>>)
      } else {
      }
      %add3A_238 = arith.constant 1 : i32
      %add3A_239 = arith.addi %mul3A_201, %add3A_238 : i32
      %dma_start3A_240 = arith.constant 0 : i32
      %dma_start3A_241 = tpu.memref_slice %arg17[%add3A_239, %dma_start3A_240] : memref<80x128xi32, #tpu.memory_space<vmem>> -> memref<1x128xi32, #tpu.memory_space<vmem>>
      %dma_start3A_242 = tpu.memref_squeeze %dma_start3A_241 : memref<1x128xi32, #tpu.memory_space<vmem>> -> memref<128xi32, #tpu.memory_space<vmem>>
      %dma_start3A_243 = arith.constant 0 : i32
      %dma_start3A_244 = arith.constant 0 : i32
      %dma_start3A_245 = tpu.memref_slice %arg15[%dma_start3A_243, %dma_start3A_244] : memref<8192x64xf32, #tpu.memory_space<vmem_shared>> -> memref<8192x64xf32, #tpu.memory_space<vmem_shared>>
      tpu.enqueue_indirect_dma source(%arg19 : memref<128x64xf32, #tpu.memory_space<vmem>>) target(%dma_start3A_245 : memref<8192x64xf32, #tpu.memory_space<vmem_shared>>) offsets(%dma_start3A_242 : memref<128xi32, #tpu.memory_space<vmem>>) semaphore(%arg23 : memref<!tpu.dma_semaphore, #tpu.memory_space<semaphore_mem>>) {add = true}
      %dma_wait3A_246 = arith.constant 0 : i32
      %dma_wait3A_247 = tpu.memref_slice %arg17[%add3A_239, %dma_wait3A_246] : memref<80x128xi32, #tpu.memory_space<vmem>> -> memref<1x128xi32, #tpu.memory_space<vmem>>
      %dma_wait3A_248 = tpu.memref_squeeze %dma_wait3A_247 : memref<1x128xi32, #tpu.memory_space<vmem>> -> memref<128xi32, #tpu.memory_space<vmem>>
      %dma_wait3A_249 = arith.constant 0 : i32
      %dma_wait3A_250 = arith.constant 0 : i32
      %dma_wait3A_251 = tpu.memref_slice %arg15[%dma_wait3A_249, %dma_wait3A_250] : memref<8192x64xf32, #tpu.memory_space<vmem_shared>> -> memref<8192x64xf32, #tpu.memory_space<vmem_shared>>
      tpu.wait_indirect_dma semaphore(%arg23 : memref<!tpu.dma_semaphore, #tpu.memory_space<semaphore_mem>>) src(%arg19 : memref<128x64xf32, #tpu.memory_space<vmem>>) dst(%dma_wait3A_251 : memref<8192x64xf32, #tpu.memory_space<vmem_shared>>)
    }
    %scan3A_63 = arith.constant 20 : i32
    %dma_wait3A = arith.constant 0 : i32
    %dma_wait3A_64 = arith.constant 0 : i32
    %dma_wait3A_65 = arith.constant 0 : i32
    %dma_wait3A_66 = tpu.memref_slice %arg14[%dma_wait3A_64, %dma_wait3A_65] : memref<512x64xf32, #tpu.memory_space<vmem>> -> memref<128x64xf32, #tpu.memory_space<vmem>>
    %dma_wait3A_67 = arith.constant 0 : i32
    %dma_wait3A_68 = tpu.memref_slice %arg12[%dma_wait3A, %dma_wait3A_67] : memref<4x128xi32, #tpu.memory_space<vmem>> -> memref<1x128xi32, #tpu.memory_space<vmem>>
    %dma_wait3A_69 = tpu.memref_squeeze %dma_wait3A_68 : memref<1x128xi32, #tpu.memory_space<vmem>> -> memref<128xi32, #tpu.memory_space<vmem>>
    %dma_wait3A_70 = arith.constant 0 : i32
    %dma_wait3A_71 = arith.constant 0 : i32
    %dma_wait3A_72 = tpu.memref_slice %arg2[%dma_wait3A_70, %dma_wait3A_71] : memref<1000000x64xf32, #tpu.memory_space<hbm>> -> memref<1000000x64xf32, #tpu.memory_space<hbm>>
    tpu.wait_indirect_dma semaphore(%arg20 : memref<!tpu.dma_semaphore, #tpu.memory_space<semaphore_mem>>) src(%dma_wait3A_72 : memref<1000000x64xf32, #tpu.memory_space<hbm>>) dst(%dma_wait3A_66 : memref<128x64xf32, #tpu.memory_space<vmem>>)
    %dma_wait3A_73 = arith.constant 1 : i32
    %dma_wait3A_74 = arith.constant 128 : i32
    %dma_wait3A_75 = arith.constant 0 : i32
    %dma_wait3A_76 = tpu.memref_slice %arg14[%dma_wait3A_74, %dma_wait3A_75] : memref<512x64xf32, #tpu.memory_space<vmem>> -> memref<128x64xf32, #tpu.memory_space<vmem>>
    %dma_wait3A_77 = arith.constant 0 : i32
    %dma_wait3A_78 = tpu.memref_slice %arg12[%dma_wait3A_73, %dma_wait3A_77] : memref<4x128xi32, #tpu.memory_space<vmem>> -> memref<1x128xi32, #tpu.memory_space<vmem>>
    %dma_wait3A_79 = tpu.memref_squeeze %dma_wait3A_78 : memref<1x128xi32, #tpu.memory_space<vmem>> -> memref<128xi32, #tpu.memory_space<vmem>>
    %dma_wait3A_80 = arith.constant 0 : i32
    %dma_wait3A_81 = arith.constant 0 : i32
    %dma_wait3A_82 = tpu.memref_slice %arg2[%dma_wait3A_80, %dma_wait3A_81] : memref<1000000x64xf32, #tpu.memory_space<hbm>> -> memref<1000000x64xf32, #tpu.memory_space<hbm>>
    tpu.wait_indirect_dma semaphore(%arg20 : memref<!tpu.dma_semaphore, #tpu.memory_space<semaphore_mem>>) src(%dma_wait3A_82 : memref<1000000x64xf32, #tpu.memory_space<hbm>>) dst(%dma_wait3A_76 : memref<128x64xf32, #tpu.memory_space<vmem>>)
    %dma_wait3A_83 = arith.constant 2 : i32
    %dma_wait3A_84 = arith.constant 256 : i32
    %dma_wait3A_85 = arith.constant 0 : i32
    %dma_wait3A_86 = tpu.memref_slice %arg14[%dma_wait3A_84, %dma_wait3A_85] : memref<512x64xf32, #tpu.memory_space<vmem>> -> memref<128x64xf32, #tpu.memory_space<vmem>>
    %dma_wait3A_87 = arith.constant 0 : i32
    %dma_wait3A_88 = tpu.memref_slice %arg12[%dma_wait3A_83, %dma_wait3A_87] : memref<4x128xi32, #tpu.memory_space<vmem>> -> memref<1x128xi32, #tpu.memory_space<vmem>>
    %dma_wait3A_89 = tpu.memref_squeeze %dma_wait3A_88 : memref<1x128xi32, #tpu.memory_space<vmem>> -> memref<128xi32, #tpu.memory_space<vmem>>
    %dma_wait3A_90 = arith.constant 0 : i32
    %dma_wait3A_91 = arith.constant 0 : i32
    %dma_wait3A_92 = tpu.memref_slice %arg2[%dma_wait3A_90, %dma_wait3A_91] : memref<1000000x64xf32, #tpu.memory_space<hbm>> -> memref<1000000x64xf32, #tpu.memory_space<hbm>>
    tpu.wait_indirect_dma semaphore(%arg20 : memref<!tpu.dma_semaphore, #tpu.memory_space<semaphore_mem>>) src(%dma_wait3A_92 : memref<1000000x64xf32, #tpu.memory_space<hbm>>) dst(%dma_wait3A_86 : memref<128x64xf32, #tpu.memory_space<vmem>>)
    %dma_wait3A_93 = arith.constant 3 : i32
    %dma_wait3A_94 = arith.constant 384 : i32
    %dma_wait3A_95 = arith.constant 0 : i32
    %dma_wait3A_96 = tpu.memref_slice %arg14[%dma_wait3A_94, %dma_wait3A_95] : memref<512x64xf32, #tpu.memory_space<vmem>> -> memref<128x64xf32, #tpu.memory_space<vmem>>
    %dma_wait3A_97 = arith.constant 0 : i32
    %dma_wait3A_98 = tpu.memref_slice %arg12[%dma_wait3A_93, %dma_wait3A_97] : memref<4x128xi32, #tpu.memory_space<vmem>> -> memref<1x128xi32, #tpu.memory_space<vmem>>
    %dma_wait3A_99 = tpu.memref_squeeze %dma_wait3A_98 : memref<1x128xi32, #tpu.memory_space<vmem>> -> memref<128xi32, #tpu.memory_space<vmem>>
    %dma_wait3A_100 = arith.constant 0 : i32
    %dma_wait3A_101 = arith.constant 0 : i32
    %dma_wait3A_102 = tpu.memref_slice %arg2[%dma_wait3A_100, %dma_wait3A_101] : memref<1000000x64xf32, #tpu.memory_space<hbm>> -> memref<1000000x64xf32, #tpu.memory_space<hbm>>
    tpu.wait_indirect_dma semaphore(%arg20 : memref<!tpu.dma_semaphore, #tpu.memory_space<semaphore_mem>>) src(%dma_wait3A_102 : memref<1000000x64xf32, #tpu.memory_space<hbm>>) dst(%dma_wait3A_96 : memref<128x64xf32, #tpu.memory_space<vmem>>)
    "tpu.region"() ({
      %run_scoped3A = tpu.sem_alloc : memref<!tpu.dma_semaphore, #tpu.memory_space<semaphore_mem>>
      %dma_start3A_199 = arith.constant 0 : i32
      %dma_start3A_200 = tpu.memref_slice %arg9[%mul3A_2, %dma_start3A_199] : memref<16384x64xf32, #tpu.memory_space<hbm>> -> memref<512x64xf32, #tpu.memory_space<hbm>>
      %dma_start3A_201 = arith.constant 0 : i32
      %dma_start3A_202 = tpu.memref_slice %arg9[%mul3A_2, %dma_start3A_201] : memref<16384x64xf32, #tpu.memory_space<hbm>> -> memref<512x64xf32, #tpu.memory_space<hbm>>
      tpu.enqueue_dma source(%arg14 : memref<512x64xf32, #tpu.memory_space<vmem>>) target(%dma_start3A_202 : memref<512x64xf32, #tpu.memory_space<hbm>>) target_semaphore(%run_scoped3A : memref<!tpu.dma_semaphore, #tpu.memory_space<semaphore_mem>>)
      %dma_wait3A_203 = arith.constant 0 : i32
      %dma_wait3A_204 = tpu.memref_slice %arg9[%mul3A_2, %dma_wait3A_203] : memref<16384x64xf32, #tpu.memory_space<hbm>> -> memref<512x64xf32, #tpu.memory_space<hbm>>
      %dma_wait3A_205 = arith.constant 0 : i32
      %dma_wait3A_206 = tpu.memref_slice %arg9[%mul3A_2, %dma_wait3A_205] : memref<16384x64xf32, #tpu.memory_space<hbm>> -> memref<512x64xf32, #tpu.memory_space<hbm>>
      tpu.wait_dma2 semaphore(%run_scoped3A : memref<!tpu.dma_semaphore, #tpu.memory_space<semaphore_mem>>) src(%arg14 : memref<512x64xf32, #tpu.memory_space<vmem>>) dst(%dma_wait3A_206 : memref<512x64xf32, #tpu.memory_space<hbm>>)
      tpu.yield
    }) : () -> ()
    %dma_start3A_103 = arith.constant 0 : i32
    %dma_start3A_104 = arith.constant 0 : i32
    %dma_start3A_105 = arith.constant 0 : i32
    %dma_start3A_106 = tpu.memref_slice %arg14[%dma_start3A_104, %dma_start3A_105] : memref<512x64xf32, #tpu.memory_space<vmem>> -> memref<128x64xf32, #tpu.memory_space<vmem>>
    %dma_start3A_107 = arith.constant 0 : i32
    %dma_start3A_108 = tpu.memref_slice %arg13[%dma_start3A_103, %dma_start3A_107] : memref<4x128xi32, #tpu.memory_space<vmem>> -> memref<1x128xi32, #tpu.memory_space<vmem>>
    %dma_start3A_109 = tpu.memref_squeeze %dma_start3A_108 : memref<1x128xi32, #tpu.memory_space<vmem>> -> memref<128xi32, #tpu.memory_space<vmem>>
    %dma_start3A_110 = arith.constant 0 : i32
    %dma_start3A_111 = arith.constant 0 : i32
    %dma_start3A_112 = tpu.memref_slice %arg3[%dma_start3A_110, %dma_start3A_111] : memref<1000000x64xf32, #tpu.memory_space<hbm>> -> memref<1000000x64xf32, #tpu.memory_space<hbm>>
    tpu.enqueue_indirect_dma source(%dma_start3A_112 : memref<1000000x64xf32, #tpu.memory_space<hbm>>) target(%dma_start3A_106 : memref<128x64xf32, #tpu.memory_space<vmem>>) offsets(%dma_start3A_109 : memref<128xi32, #tpu.memory_space<vmem>>) semaphore(%arg20 : memref<!tpu.dma_semaphore, #tpu.memory_space<semaphore_mem>>)
    %dma_start3A_113 = arith.constant 1 : i32
    %dma_start3A_114 = arith.constant 128 : i32
    %dma_start3A_115 = arith.constant 0 : i32
    %dma_start3A_116 = tpu.memref_slice %arg14[%dma_start3A_114, %dma_start3A_115] : memref<512x64xf32, #tpu.memory_space<vmem>> -> memref<128x64xf32, #tpu.memory_space<vmem>>
    %dma_start3A_117 = arith.constant 0 : i32
    %dma_start3A_118 = tpu.memref_slice %arg13[%dma_start3A_113, %dma_start3A_117] : memref<4x128xi32, #tpu.memory_space<vmem>> -> memref<1x128xi32, #tpu.memory_space<vmem>>
    %dma_start3A_119 = tpu.memref_squeeze %dma_start3A_118 : memref<1x128xi32, #tpu.memory_space<vmem>> -> memref<128xi32, #tpu.memory_space<vmem>>
    %dma_start3A_120 = arith.constant 0 : i32
    %dma_start3A_121 = arith.constant 0 : i32
    %dma_start3A_122 = tpu.memref_slice %arg3[%dma_start3A_120, %dma_start3A_121] : memref<1000000x64xf32, #tpu.memory_space<hbm>> -> memref<1000000x64xf32, #tpu.memory_space<hbm>>
    tpu.enqueue_indirect_dma source(%dma_start3A_122 : memref<1000000x64xf32, #tpu.memory_space<hbm>>) target(%dma_start3A_116 : memref<128x64xf32, #tpu.memory_space<vmem>>) offsets(%dma_start3A_119 : memref<128xi32, #tpu.memory_space<vmem>>) semaphore(%arg20 : memref<!tpu.dma_semaphore, #tpu.memory_space<semaphore_mem>>)
    %dma_start3A_123 = arith.constant 2 : i32
    %dma_start3A_124 = arith.constant 256 : i32
    %dma_start3A_125 = arith.constant 0 : i32
    %dma_start3A_126 = tpu.memref_slice %arg14[%dma_start3A_124, %dma_start3A_125] : memref<512x64xf32, #tpu.memory_space<vmem>> -> memref<128x64xf32, #tpu.memory_space<vmem>>
    %dma_start3A_127 = arith.constant 0 : i32
    %dma_start3A_128 = tpu.memref_slice %arg13[%dma_start3A_123, %dma_start3A_127] : memref<4x128xi32, #tpu.memory_space<vmem>> -> memref<1x128xi32, #tpu.memory_space<vmem>>
    %dma_start3A_129 = tpu.memref_squeeze %dma_start3A_128 : memref<1x128xi32, #tpu.memory_space<vmem>> -> memref<128xi32, #tpu.memory_space<vmem>>
    %dma_start3A_130 = arith.constant 0 : i32
    %dma_start3A_131 = arith.constant 0 : i32
    %dma_start3A_132 = tpu.memref_slice %arg3[%dma_start3A_130, %dma_start3A_131] : memref<1000000x64xf32, #tpu.memory_space<hbm>> -> memref<1000000x64xf32, #tpu.memory_space<hbm>>
    tpu.enqueue_indirect_dma source(%dma_start3A_132 : memref<1000000x64xf32, #tpu.memory_space<hbm>>) target(%dma_start3A_126 : memref<128x64xf32, #tpu.memory_space<vmem>>) offsets(%dma_start3A_129 : memref<128xi32, #tpu.memory_space<vmem>>) semaphore(%arg20 : memref<!tpu.dma_semaphore, #tpu.memory_space<semaphore_mem>>)
    %dma_start3A_133 = arith.constant 3 : i32
    %dma_start3A_134 = arith.constant 384 : i32
    %dma_start3A_135 = arith.constant 0 : i32
    %dma_start3A_136 = tpu.memref_slice %arg14[%dma_start3A_134, %dma_start3A_135] : memref<512x64xf32, #tpu.memory_space<vmem>> -> memref<128x64xf32, #tpu.memory_space<vmem>>
    %dma_start3A_137 = arith.constant 0 : i32
    %dma_start3A_138 = tpu.memref_slice %arg13[%dma_start3A_133, %dma_start3A_137] : memref<4x128xi32, #tpu.memory_space<vmem>> -> memref<1x128xi32, #tpu.memory_space<vmem>>
    %dma_start3A_139 = tpu.memref_squeeze %dma_start3A_138 : memref<1x128xi32, #tpu.memory_space<vmem>> -> memref<128xi32, #tpu.memory_space<vmem>>
    %dma_start3A_140 = arith.constant 0 : i32
    %dma_start3A_141 = arith.constant 0 : i32
    %dma_start3A_142 = tpu.memref_slice %arg3[%dma_start3A_140, %dma_start3A_141] : memref<1000000x64xf32, #tpu.memory_space<hbm>> -> memref<1000000x64xf32, #tpu.memory_space<hbm>>
    tpu.enqueue_indirect_dma source(%dma_start3A_142 : memref<1000000x64xf32, #tpu.memory_space<hbm>>) target(%dma_start3A_136 : memref<128x64xf32, #tpu.memory_space<vmem>>) offsets(%dma_start3A_139 : memref<128xi32, #tpu.memory_space<vmem>>) semaphore(%arg20 : memref<!tpu.dma_semaphore, #tpu.memory_space<semaphore_mem>>)
    %dma_start3A_143 = arith.constant 40 : i32
    %dma_start3A_144 = arith.constant 0 : i32
    %dma_start3A_145 = tpu.memref_slice %arg16[%dma_start3A_143, %dma_start3A_144] : memref<80x128xi32, #tpu.memory_space<vmem>> -> memref<1x128xi32, #tpu.memory_space<vmem>>
    %dma_start3A_146 = tpu.memref_squeeze %dma_start3A_145 : memref<1x128xi32, #tpu.memory_space<vmem>> -> memref<128xi32, #tpu.memory_space<vmem>>
    %dma_start3A_147 = arith.constant 0 : i32
    %dma_start3A_148 = arith.constant 0 : i32
    %dma_start3A_149 = tpu.memref_slice %arg3[%dma_start3A_147, %dma_start3A_148] : memref<1000000x64xf32, #tpu.memory_space<hbm>> -> memref<1000000x64xf32, #tpu.memory_space<hbm>>
    tpu.enqueue_indirect_dma source(%dma_start3A_149 : memref<1000000x64xf32, #tpu.memory_space<hbm>>) target(%arg18 : memref<128x64xf32, #tpu.memory_space<vmem>>) offsets(%dma_start3A_146 : memref<128xi32, #tpu.memory_space<vmem>>) semaphore(%arg21 : memref<!tpu.dma_semaphore, #tpu.memory_space<semaphore_mem>>)
    %scan3A_150 = arith.constant 0 : i32
    %scan3A_151 = arith.constant 20 : i32
    %scan3A_152 = arith.constant 20 : i32
    %scan3A_153 = arith.addi %scan3A_151, %scan3A_152 : i32
    %scan3A_154 = arith.constant 1 : i32
    scf.for %scan3A_199 = %scan3A_151 to %scan3A_153 step %scan3A_154  : i32 {
      %mul3A_200 = arith.constant 2 : i32
      %mul3A_201 = arith.muli %mul3A_200, %scan3A_199 : i32
      %dma_wait3A_202 = arith.constant 0 : i32
      %dma_wait3A_203 = tpu.memref_slice %arg16[%mul3A_201, %dma_wait3A_202] : memref<80x128xi32, #tpu.memory_space<vmem>> -> memref<1x128xi32, #tpu.memory_space<vmem>>
      %dma_wait3A_204 = tpu.memref_squeeze %dma_wait3A_203 : memref<1x128xi32, #tpu.memory_space<vmem>> -> memref<128xi32, #tpu.memory_space<vmem>>
      %dma_wait3A_205 = arith.constant 0 : i32
      %dma_wait3A_206 = arith.constant 0 : i32
      %dma_wait3A_207 = tpu.memref_slice %arg3[%dma_wait3A_205, %dma_wait3A_206] : memref<1000000x64xf32, #tpu.memory_space<hbm>> -> memref<1000000x64xf32, #tpu.memory_space<hbm>>
      tpu.wait_indirect_dma semaphore(%arg21 : memref<!tpu.dma_semaphore, #tpu.memory_space<semaphore_mem>>) src(%dma_wait3A_207 : memref<1000000x64xf32, #tpu.memory_space<hbm>>) dst(%arg18 : memref<128x64xf32, #tpu.memory_space<vmem>>)
      %add3A_208 = arith.constant 1 : i32
      %add3A_209 = arith.addi %mul3A_201, %add3A_208 : i32
      %dma_start3A_210 = arith.constant 0 : i32
      %dma_start3A_211 = tpu.memref_slice %arg16[%add3A_209, %dma_start3A_210] : memref<80x128xi32, #tpu.memory_space<vmem>> -> memref<1x128xi32, #tpu.memory_space<vmem>>
      %dma_start3A_212 = tpu.memref_squeeze %dma_start3A_211 : memref<1x128xi32, #tpu.memory_space<vmem>> -> memref<128xi32, #tpu.memory_space<vmem>>
      %dma_start3A_213 = arith.constant 0 : i32
      %dma_start3A_214 = arith.constant 0 : i32
      %dma_start3A_215 = tpu.memref_slice %arg3[%dma_start3A_213, %dma_start3A_214] : memref<1000000x64xf32, #tpu.memory_space<hbm>> -> memref<1000000x64xf32, #tpu.memory_space<hbm>>
      tpu.enqueue_indirect_dma source(%dma_start3A_215 : memref<1000000x64xf32, #tpu.memory_space<hbm>>) target(%arg19 : memref<128x64xf32, #tpu.memory_space<vmem>>) offsets(%dma_start3A_212 : memref<128xi32, #tpu.memory_space<vmem>>) semaphore(%arg22 : memref<!tpu.dma_semaphore, #tpu.memory_space<semaphore_mem>>)
      %dma_start3A_216 = arith.constant 0 : i32
      %dma_start3A_217 = tpu.memref_slice %arg17[%mul3A_201, %dma_start3A_216] : memref<80x128xi32, #tpu.memory_space<vmem>> -> memref<1x128xi32, #tpu.memory_space<vmem>>
      %dma_start3A_218 = tpu.memref_squeeze %dma_start3A_217 : memref<1x128xi32, #tpu.memory_space<vmem>> -> memref<128xi32, #tpu.memory_space<vmem>>
      %dma_start3A_219 = arith.constant 0 : i32
      %dma_start3A_220 = arith.constant 0 : i32
      %dma_start3A_221 = tpu.memref_slice %arg15[%dma_start3A_219, %dma_start3A_220] : memref<8192x64xf32, #tpu.memory_space<vmem_shared>> -> memref<8192x64xf32, #tpu.memory_space<vmem_shared>>
      tpu.enqueue_indirect_dma source(%arg18 : memref<128x64xf32, #tpu.memory_space<vmem>>) target(%dma_start3A_221 : memref<8192x64xf32, #tpu.memory_space<vmem_shared>>) offsets(%dma_start3A_218 : memref<128xi32, #tpu.memory_space<vmem>>) semaphore(%arg23 : memref<!tpu.dma_semaphore, #tpu.memory_space<semaphore_mem>>) {add = true}
      %dma_wait3A_222 = arith.constant 0 : i32
      %dma_wait3A_223 = tpu.memref_slice %arg17[%mul3A_201, %dma_wait3A_222] : memref<80x128xi32, #tpu.memory_space<vmem>> -> memref<1x128xi32, #tpu.memory_space<vmem>>
      %dma_wait3A_224 = tpu.memref_squeeze %dma_wait3A_223 : memref<1x128xi32, #tpu.memory_space<vmem>> -> memref<128xi32, #tpu.memory_space<vmem>>
      %dma_wait3A_225 = arith.constant 0 : i32
      %dma_wait3A_226 = arith.constant 0 : i32
      %dma_wait3A_227 = tpu.memref_slice %arg15[%dma_wait3A_225, %dma_wait3A_226] : memref<8192x64xf32, #tpu.memory_space<vmem_shared>> -> memref<8192x64xf32, #tpu.memory_space<vmem_shared>>
      tpu.wait_indirect_dma semaphore(%arg23 : memref<!tpu.dma_semaphore, #tpu.memory_space<semaphore_mem>>) src(%arg18 : memref<128x64xf32, #tpu.memory_space<vmem>>) dst(%dma_wait3A_227 : memref<8192x64xf32, #tpu.memory_space<vmem_shared>>)
      %add3A_228 = arith.constant 1 : i32
      %add3A_229 = arith.addi %mul3A_201, %add3A_228 : i32
      %dma_wait3A_230 = arith.constant 0 : i32
      %dma_wait3A_231 = tpu.memref_slice %arg16[%add3A_229, %dma_wait3A_230] : memref<80x128xi32, #tpu.memory_space<vmem>> -> memref<1x128xi32, #tpu.memory_space<vmem>>
      %dma_wait3A_232 = tpu.memref_squeeze %dma_wait3A_231 : memref<1x128xi32, #tpu.memory_space<vmem>> -> memref<128xi32, #tpu.memory_space<vmem>>
      %dma_wait3A_233 = arith.constant 0 : i32
      %dma_wait3A_234 = arith.constant 0 : i32
      %dma_wait3A_235 = tpu.memref_slice %arg3[%dma_wait3A_233, %dma_wait3A_234] : memref<1000000x64xf32, #tpu.memory_space<hbm>> -> memref<1000000x64xf32, #tpu.memory_space<hbm>>
      tpu.wait_indirect_dma semaphore(%arg22 : memref<!tpu.dma_semaphore, #tpu.memory_space<semaphore_mem>>) src(%dma_wait3A_235 : memref<1000000x64xf32, #tpu.memory_space<hbm>>) dst(%arg19 : memref<128x64xf32, #tpu.memory_space<vmem>>)
      %lt3A = arith.constant 39 : i32
      %lt3A_236 = arith.cmpi slt, %scan3A_199, %lt3A : i32
      %convert_element_type3A = arith.extui %lt3A_236 : i1 to i32
      %cond3A = arith.constant 0 : i32
      %cond3A_237 = arith.cmpi ne, %convert_element_type3A, %cond3A : i32
      scf.if %cond3A_237 {
        %add3A_252 = arith.constant 2 : i32
        %add3A_253 = arith.addi %mul3A_201, %add3A_252 : i32
        %dma_start3A_254 = arith.constant 0 : i32
        %dma_start3A_255 = tpu.memref_slice %arg16[%add3A_253, %dma_start3A_254] : memref<80x128xi32, #tpu.memory_space<vmem>> -> memref<1x128xi32, #tpu.memory_space<vmem>>
        %dma_start3A_256 = tpu.memref_squeeze %dma_start3A_255 : memref<1x128xi32, #tpu.memory_space<vmem>> -> memref<128xi32, #tpu.memory_space<vmem>>
        %dma_start3A_257 = arith.constant 0 : i32
        %dma_start3A_258 = arith.constant 0 : i32
        %dma_start3A_259 = tpu.memref_slice %arg3[%dma_start3A_257, %dma_start3A_258] : memref<1000000x64xf32, #tpu.memory_space<hbm>> -> memref<1000000x64xf32, #tpu.memory_space<hbm>>
        tpu.enqueue_indirect_dma source(%dma_start3A_259 : memref<1000000x64xf32, #tpu.memory_space<hbm>>) target(%arg18 : memref<128x64xf32, #tpu.memory_space<vmem>>) offsets(%dma_start3A_256 : memref<128xi32, #tpu.memory_space<vmem>>) semaphore(%arg21 : memref<!tpu.dma_semaphore, #tpu.memory_space<semaphore_mem>>)
      } else {
      }
      %add3A_238 = arith.constant 1 : i32
      %add3A_239 = arith.addi %mul3A_201, %add3A_238 : i32
      %dma_start3A_240 = arith.constant 0 : i32
      %dma_start3A_241 = tpu.memref_slice %arg17[%add3A_239, %dma_start3A_240] : memref<80x128xi32, #tpu.memory_space<vmem>> -> memref<1x128xi32, #tpu.memory_space<vmem>>
      %dma_start3A_242 = tpu.memref_squeeze %dma_start3A_241 : memref<1x128xi32, #tpu.memory_space<vmem>> -> memref<128xi32, #tpu.memory_space<vmem>>
      %dma_start3A_243 = arith.constant 0 : i32
      %dma_start3A_244 = arith.constant 0 : i32
      %dma_start3A_245 = tpu.memref_slice %arg15[%dma_start3A_243, %dma_start3A_244] : memref<8192x64xf32, #tpu.memory_space<vmem_shared>> -> memref<8192x64xf32, #tpu.memory_space<vmem_shared>>
      tpu.enqueue_indirect_dma source(%arg19 : memref<128x64xf32, #tpu.memory_space<vmem>>) target(%dma_start3A_245 : memref<8192x64xf32, #tpu.memory_space<vmem_shared>>) offsets(%dma_start3A_242 : memref<128xi32, #tpu.memory_space<vmem>>) semaphore(%arg23 : memref<!tpu.dma_semaphore, #tpu.memory_space<semaphore_mem>>) {add = true}
      %dma_wait3A_246 = arith.constant 0 : i32
      %dma_wait3A_247 = tpu.memref_slice %arg17[%add3A_239, %dma_wait3A_246] : memref<80x128xi32, #tpu.memory_space<vmem>> -> memref<1x128xi32, #tpu.memory_space<vmem>>
      %dma_wait3A_248 = tpu.memref_squeeze %dma_wait3A_247 : memref<1x128xi32, #tpu.memory_space<vmem>> -> memref<128xi32, #tpu.memory_space<vmem>>
      %dma_wait3A_249 = arith.constant 0 : i32
      %dma_wait3A_250 = arith.constant 0 : i32
      %dma_wait3A_251 = tpu.memref_slice %arg15[%dma_wait3A_249, %dma_wait3A_250] : memref<8192x64xf32, #tpu.memory_space<vmem_shared>> -> memref<8192x64xf32, #tpu.memory_space<vmem_shared>>
      tpu.wait_indirect_dma semaphore(%arg23 : memref<!tpu.dma_semaphore, #tpu.memory_space<semaphore_mem>>) src(%arg19 : memref<128x64xf32, #tpu.memory_space<vmem>>) dst(%dma_wait3A_251 : memref<8192x64xf32, #tpu.memory_space<vmem_shared>>)
    }
    %scan3A_155 = arith.constant 20 : i32
    %barrier3A_156 = arith.constant 0 : index
    tpu.barrier barrier_id(%barrier3A_156)
    %mul3A_157 = arith.constant 512 : i32
    %mul3A_158 = arith.muli %arg1, %mul3A_157 : i32
    "tpu.region"() ({
      %run_scoped3A = tpu.sem_alloc : memref<!tpu.dma_semaphore, #tpu.memory_space<semaphore_mem>>
      %dma_start3A_199 = arith.constant 0 : i32
      %dma_start3A_200 = tpu.memref_slice %arg11[%mul3A_2, %dma_start3A_199] : memref<16384x64xf32, #tpu.memory_space<hbm>> -> memref<512x64xf32, #tpu.memory_space<hbm>>
      %dma_start3A_201 = arith.constant 0 : i32
      %dma_start3A_202 = tpu.memref_slice %arg15[%mul3A_158, %dma_start3A_201] : memref<8192x64xf32, #tpu.memory_space<vmem_shared>> -> memref<512x64xf32, #tpu.memory_space<vmem_shared>>
      tpu.enqueue_dma source(%dma_start3A_202 : memref<512x64xf32, #tpu.memory_space<vmem_shared>>) target(%dma_start3A_200 : memref<512x64xf32, #tpu.memory_space<hbm>>) target_semaphore(%run_scoped3A : memref<!tpu.dma_semaphore, #tpu.memory_space<semaphore_mem>>)
      %dma_wait3A_203 = arith.constant 0 : i32
      %dma_wait3A_204 = tpu.memref_slice %arg11[%mul3A_2, %dma_wait3A_203] : memref<16384x64xf32, #tpu.memory_space<hbm>> -> memref<512x64xf32, #tpu.memory_space<hbm>>
      %dma_wait3A_205 = arith.constant 0 : i32
      %dma_wait3A_206 = tpu.memref_slice %arg15[%mul3A_158, %dma_wait3A_205] : memref<8192x64xf32, #tpu.memory_space<vmem_shared>> -> memref<512x64xf32, #tpu.memory_space<vmem_shared>>
      tpu.wait_dma2 semaphore(%run_scoped3A : memref<!tpu.dma_semaphore, #tpu.memory_space<semaphore_mem>>) src(%dma_wait3A_206 : memref<512x64xf32, #tpu.memory_space<vmem_shared>>) dst(%dma_wait3A_204 : memref<512x64xf32, #tpu.memory_space<hbm>>)
      tpu.yield
    }) : () -> ()
    %dma_wait3A_159 = arith.constant 0 : i32
    %dma_wait3A_160 = arith.constant 0 : i32
    %dma_wait3A_161 = arith.constant 0 : i32
    %dma_wait3A_162 = tpu.memref_slice %arg14[%dma_wait3A_160, %dma_wait3A_161] : memref<512x64xf32, #tpu.memory_space<vmem>> -> memref<128x64xf32, #tpu.memory_space<vmem>>
    %dma_wait3A_163 = arith.constant 0 : i32
    %dma_wait3A_164 = tpu.memref_slice %arg13[%dma_wait3A_159, %dma_wait3A_163] : memref<4x128xi32, #tpu.memory_space<vmem>> -> memref<1x128xi32, #tpu.memory_space<vmem>>
    %dma_wait3A_165 = tpu.memref_squeeze %dma_wait3A_164 : memref<1x128xi32, #tpu.memory_space<vmem>> -> memref<128xi32, #tpu.memory_space<vmem>>
    %dma_wait3A_166 = arith.constant 0 : i32
    %dma_wait3A_167 = arith.constant 0 : i32
    %dma_wait3A_168 = tpu.memref_slice %arg3[%dma_wait3A_166, %dma_wait3A_167] : memref<1000000x64xf32, #tpu.memory_space<hbm>> -> memref<1000000x64xf32, #tpu.memory_space<hbm>>
    tpu.wait_indirect_dma semaphore(%arg20 : memref<!tpu.dma_semaphore, #tpu.memory_space<semaphore_mem>>) src(%dma_wait3A_168 : memref<1000000x64xf32, #tpu.memory_space<hbm>>) dst(%dma_wait3A_162 : memref<128x64xf32, #tpu.memory_space<vmem>>)
    %dma_wait3A_169 = arith.constant 1 : i32
    %dma_wait3A_170 = arith.constant 128 : i32
    %dma_wait3A_171 = arith.constant 0 : i32
    %dma_wait3A_172 = tpu.memref_slice %arg14[%dma_wait3A_170, %dma_wait3A_171] : memref<512x64xf32, #tpu.memory_space<vmem>> -> memref<128x64xf32, #tpu.memory_space<vmem>>
    %dma_wait3A_173 = arith.constant 0 : i32
    %dma_wait3A_174 = tpu.memref_slice %arg13[%dma_wait3A_169, %dma_wait3A_173] : memref<4x128xi32, #tpu.memory_space<vmem>> -> memref<1x128xi32, #tpu.memory_space<vmem>>
    %dma_wait3A_175 = tpu.memref_squeeze %dma_wait3A_174 : memref<1x128xi32, #tpu.memory_space<vmem>> -> memref<128xi32, #tpu.memory_space<vmem>>
    %dma_wait3A_176 = arith.constant 0 : i32
    %dma_wait3A_177 = arith.constant 0 : i32
    %dma_wait3A_178 = tpu.memref_slice %arg3[%dma_wait3A_176, %dma_wait3A_177] : memref<1000000x64xf32, #tpu.memory_space<hbm>> -> memref<1000000x64xf32, #tpu.memory_space<hbm>>
    tpu.wait_indirect_dma semaphore(%arg20 : memref<!tpu.dma_semaphore, #tpu.memory_space<semaphore_mem>>) src(%dma_wait3A_178 : memref<1000000x64xf32, #tpu.memory_space<hbm>>) dst(%dma_wait3A_172 : memref<128x64xf32, #tpu.memory_space<vmem>>)
    %dma_wait3A_179 = arith.constant 2 : i32
    %dma_wait3A_180 = arith.constant 256 : i32
    %dma_wait3A_181 = arith.constant 0 : i32
    %dma_wait3A_182 = tpu.memref_slice %arg14[%dma_wait3A_180, %dma_wait3A_181] : memref<512x64xf32, #tpu.memory_space<vmem>> -> memref<128x64xf32, #tpu.memory_space<vmem>>
    %dma_wait3A_183 = arith.constant 0 : i32
    %dma_wait3A_184 = tpu.memref_slice %arg13[%dma_wait3A_179, %dma_wait3A_183] : memref<4x128xi32, #tpu.memory_space<vmem>> -> memref<1x128xi32, #tpu.memory_space<vmem>>
    %dma_wait3A_185 = tpu.memref_squeeze %dma_wait3A_184 : memref<1x128xi32, #tpu.memory_space<vmem>> -> memref<128xi32, #tpu.memory_space<vmem>>
    %dma_wait3A_186 = arith.constant 0 : i32
    %dma_wait3A_187 = arith.constant 0 : i32
    %dma_wait3A_188 = tpu.memref_slice %arg3[%dma_wait3A_186, %dma_wait3A_187] : memref<1000000x64xf32, #tpu.memory_space<hbm>> -> memref<1000000x64xf32, #tpu.memory_space<hbm>>
    tpu.wait_indirect_dma semaphore(%arg20 : memref<!tpu.dma_semaphore, #tpu.memory_space<semaphore_mem>>) src(%dma_wait3A_188 : memref<1000000x64xf32, #tpu.memory_space<hbm>>) dst(%dma_wait3A_182 : memref<128x64xf32, #tpu.memory_space<vmem>>)
    %dma_wait3A_189 = arith.constant 3 : i32
    %dma_wait3A_190 = arith.constant 384 : i32
    %dma_wait3A_191 = arith.constant 0 : i32
    %dma_wait3A_192 = tpu.memref_slice %arg14[%dma_wait3A_190, %dma_wait3A_191] : memref<512x64xf32, #tpu.memory_space<vmem>> -> memref<128x64xf32, #tpu.memory_space<vmem>>
    %dma_wait3A_193 = arith.constant 0 : i32
    %dma_wait3A_194 = tpu.memref_slice %arg13[%dma_wait3A_189, %dma_wait3A_193] : memref<4x128xi32, #tpu.memory_space<vmem>> -> memref<1x128xi32, #tpu.memory_space<vmem>>
    %dma_wait3A_195 = tpu.memref_squeeze %dma_wait3A_194 : memref<1x128xi32, #tpu.memory_space<vmem>> -> memref<128xi32, #tpu.memory_space<vmem>>
    %dma_wait3A_196 = arith.constant 0 : i32
    %dma_wait3A_197 = arith.constant 0 : i32
    %dma_wait3A_198 = tpu.memref_slice %arg3[%dma_wait3A_196, %dma_wait3A_197] : memref<1000000x64xf32, #tpu.memory_space<hbm>> -> memref<1000000x64xf32, #tpu.memory_space<hbm>>
    tpu.wait_indirect_dma semaphore(%arg20 : memref<!tpu.dma_semaphore, #tpu.memory_space<semaphore_mem>>) src(%dma_wait3A_198 : memref<1000000x64xf32, #tpu.memory_space<hbm>>) dst(%dma_wait3A_192 : memref<128x64xf32, #tpu.memory_space<vmem>>)
    "tpu.region"() ({
      %run_scoped3A = tpu.sem_alloc : memref<!tpu.dma_semaphore, #tpu.memory_space<semaphore_mem>>
      %dma_start3A_199 = arith.constant 0 : i32
      %dma_start3A_200 = tpu.memref_slice %arg10[%mul3A_2, %dma_start3A_199] : memref<16384x64xf32, #tpu.memory_space<hbm>> -> memref<512x64xf32, #tpu.memory_space<hbm>>
      %dma_start3A_201 = arith.constant 0 : i32
      %dma_start3A_202 = tpu.memref_slice %arg10[%mul3A_2, %dma_start3A_201] : memref<16384x64xf32, #tpu.memory_space<hbm>> -> memref<512x64xf32, #tpu.memory_space<hbm>>
      tpu.enqueue_dma source(%arg14 : memref<512x64xf32, #tpu.memory_space<vmem>>) target(%dma_start3A_202 : memref<512x64xf32, #tpu.memory_space<hbm>>) target_semaphore(%run_scoped3A : memref<!tpu.dma_semaphore, #tpu.memory_space<semaphore_mem>>)
      %dma_wait3A_203 = arith.constant 0 : i32
      %dma_wait3A_204 = tpu.memref_slice %arg10[%mul3A_2, %dma_wait3A_203] : memref<16384x64xf32, #tpu.memory_space<hbm>> -> memref<512x64xf32, #tpu.memory_space<hbm>>
      %dma_wait3A_205 = arith.constant 0 : i32
      %dma_wait3A_206 = tpu.memref_slice %arg10[%mul3A_2, %dma_wait3A_205] : memref<16384x64xf32, #tpu.memory_space<hbm>> -> memref<512x64xf32, #tpu.memory_space<hbm>>
      tpu.wait_dma2 semaphore(%run_scoped3A : memref<!tpu.dma_semaphore, #tpu.memory_space<semaphore_mem>>) src(%arg14 : memref<512x64xf32, #tpu.memory_space<vmem>>) dst(%dma_wait3A_206 : memref<512x64xf32, #tpu.memory_space<hbm>>)
      tpu.yield
    }) : () -> ()
    return
  }
}

module attributes {stable_mosaic.version = 14 : i64} {
  func.func @_tc_reduce(%arg0: memref<16384x64xf32, #tpu.memory_space<vmem>>, %arg1: memref<16384x64xf32, #tpu.memory_space<vmem>>, %arg2: memref<16384x64xf32, #tpu.memory_space<vmem>>, %arg3: memref<1x1xf32, #tpu.memory_space<vmem>>) attributes {dimension_semantics = [], scalar_prefetch = 0 : i64, scratch_operands = 0 : i64, tpu.core_type = #tpu.core_type<tc>} {
    %get3A = arith.constant 0 : index
    %get3A_0 = arith.constant 0 : index
    %get3A_1 = vector.load %arg0[%get3A, %get3A_0] : memref<16384x64xf32, #tpu.memory_space<vmem>>, vector<16384x64xf32>
    %get3A_2 = arith.constant 0 : index
    %get3A_3 = arith.constant 0 : index
    %get3A_4 = vector.load %arg1[%get3A_2, %get3A_3] : memref<16384x64xf32, #tpu.memory_space<vmem>>, vector<16384x64xf32>
    %mul3A = arith.mulf %get3A_1, %get3A_4 : vector<16384x64xf32>
    %reduce_sum3A = arith.constant dense<0.000000e+00> : vector<16384xf32>
    %reduce_sum3A_5 = vector.multi_reduction <add>, %mul3A, %reduce_sum3A [1] : vector<16384x64xf32> to vector<16384xf32>
    %get3A_6 = arith.constant 0 : index
    %get3A_7 = arith.constant 0 : index
    %get3A_8 = vector.load %arg2[%get3A_6, %get3A_7] : memref<16384x64xf32, #tpu.memory_space<vmem>>, vector<16384x64xf32>
    %mul3A_9 = arith.mulf %get3A_1, %get3A_8 : vector<16384x64xf32>
    %reduce_sum3A_10 = arith.constant dense<0.000000e+00> : vector<16384xf32>
    %reduce_sum3A_11 = vector.multi_reduction <add>, %mul3A_9, %reduce_sum3A_10 [1] : vector<16384x64xf32> to vector<16384xf32>
    %neg3A = arith.constant 0.000000e+00 : f32
    %neg3A_12 = vector.broadcast %neg3A : f32 to vector<16384xf32>
    %neg3A_13 = arith.subf %neg3A_12, %reduce_sum3A_5 : vector<16384xf32>
    %custom_jvp_call3A = arith.constant 0.000000e+00 : f32
    %max3A = vector.broadcast %custom_jvp_call3A : f32 to vector<16384xf32>
    %max3A_14 = arith.maximumf %neg3A_13, %max3A : vector<16384xf32>
    %sub3A = vector.broadcast %custom_jvp_call3A : f32 to vector<16384xf32>
    %sub3A_15 = arith.subf %neg3A_13, %sub3A : vector<16384xf32>
    %ne3A = arith.cmpf one, %sub3A_15, %sub3A_15 : vector<16384xf32>
    %add3A = vector.broadcast %custom_jvp_call3A : f32 to vector<16384xf32>
    %add3A_16 = arith.addf %neg3A_13, %add3A : vector<16384xf32>
    %abs3A = math.absf %sub3A_15 : vector<16384xf32>
    %neg3A_17 = arith.constant 0.000000e+00 : f32
    %neg3A_18 = vector.broadcast %neg3A_17 : f32 to vector<16384xf32>
    %neg3A_19 = arith.subf %neg3A_18, %abs3A : vector<16384xf32>
    %exp3A = math.exp %neg3A_19 : vector<16384xf32>
    %log1p3A = math.log1p %exp3A : vector<16384xf32>
    %add3A_20 = arith.addf %max3A_14, %log1p3A : vector<16384xf32>
    %select_n3A = arith.select %ne3A, %add3A_16, %add3A_20 : vector<16384xi1>, vector<16384xf32>
    %neg3A_21 = arith.constant 0.000000e+00 : f32
    %neg3A_22 = vector.broadcast %neg3A_21 : f32 to vector<16384xf32>
    %neg3A_23 = arith.subf %neg3A_22, %select_n3A : vector<16384xf32>
    %reduce_sum3A_24 = vector.shape_cast %neg3A_23 : vector<16384xf32> to vector<1x16384xf32>
    %reduce_sum3A_25 = arith.constant dense<0.000000e+00> : vector<1xf32>
    %reduce_sum3A_26 = vector.multi_reduction <add>, %reduce_sum3A_24, %reduce_sum3A_25 [1] : vector<1x16384xf32> to vector<1xf32>
    %reduce_sum3A_27 = vector.shape_cast %reduce_sum3A_26 : vector<1xf32> to vector<1x1xf32>
    %reduce_sum3A_28 = vector.extract %reduce_sum3A_27[0, 0] : f32 from vector<1x1xf32>
    %neg3A_29 = arith.constant 0.000000e+00 : f32
    %neg3A_30 = vector.broadcast %neg3A_29 : f32 to vector<16384xf32>
    %neg3A_31 = arith.subf %neg3A_30, %reduce_sum3A_11 : vector<16384xf32>
    %neg3A_32 = arith.constant 0.000000e+00 : f32
    %neg3A_33 = vector.broadcast %neg3A_32 : f32 to vector<16384xf32>
    %neg3A_34 = arith.subf %neg3A_33, %neg3A_31 : vector<16384xf32>
    %custom_jvp_call3A_35 = arith.constant 0.000000e+00 : f32
    %max3A_36 = vector.broadcast %custom_jvp_call3A_35 : f32 to vector<16384xf32>
    %max3A_37 = arith.maximumf %neg3A_34, %max3A_36 : vector<16384xf32>
    %sub3A_38 = vector.broadcast %custom_jvp_call3A_35 : f32 to vector<16384xf32>
    %sub3A_39 = arith.subf %neg3A_34, %sub3A_38 : vector<16384xf32>
    %ne3A_40 = arith.cmpf one, %sub3A_39, %sub3A_39 : vector<16384xf32>
    %add3A_41 = vector.broadcast %custom_jvp_call3A_35 : f32 to vector<16384xf32>
    %add3A_42 = arith.addf %neg3A_34, %add3A_41 : vector<16384xf32>
    %abs3A_43 = math.absf %sub3A_39 : vector<16384xf32>
    %neg3A_44 = arith.constant 0.000000e+00 : f32
    %neg3A_45 = vector.broadcast %neg3A_44 : f32 to vector<16384xf32>
    %neg3A_46 = arith.subf %neg3A_45, %abs3A_43 : vector<16384xf32>
    %exp3A_47 = math.exp %neg3A_46 : vector<16384xf32>
    %log1p3A_48 = math.log1p %exp3A_47 : vector<16384xf32>
    %add3A_49 = arith.addf %max3A_37, %log1p3A_48 : vector<16384xf32>
    %select_n3A_50 = arith.select %ne3A_40, %add3A_42, %add3A_49 : vector<16384xi1>, vector<16384xf32>
    %neg3A_51 = arith.constant 0.000000e+00 : f32
    %neg3A_52 = vector.broadcast %neg3A_51 : f32 to vector<16384xf32>
    %neg3A_53 = arith.subf %neg3A_52, %select_n3A_50 : vector<16384xf32>
    %reduce_sum3A_54 = vector.shape_cast %neg3A_53 : vector<16384xf32> to vector<1x16384xf32>
    %reduce_sum3A_55 = arith.constant dense<0.000000e+00> : vector<1xf32>
    %reduce_sum3A_56 = vector.multi_reduction <add>, %reduce_sum3A_54, %reduce_sum3A_55 [1] : vector<1x16384xf32> to vector<1xf32>
    %reduce_sum3A_57 = vector.shape_cast %reduce_sum3A_56 : vector<1xf32> to vector<1x1xf32>
    %reduce_sum3A_58 = vector.extract %reduce_sum3A_57[0, 0] : f32 from vector<1x1xf32>
    %add3A_59 = arith.addf %reduce_sum3A_28, %reduce_sum3A_58 : f32
    %neg3A_60 = arith.constant 0.000000e+00 : f32
    %neg3A_61 = arith.subf %neg3A_60, %add3A_59 : f32
    %reshape3A = vector.broadcast %neg3A_61 : f32 to vector<1x1xf32>
    %swap3A = arith.constant 0 : index
    %swap3A_62 = arith.constant 0 : index
    %swap3A_63 = vector.load %arg3[%swap3A, %swap3A_62] : memref<1x1xf32, #tpu.memory_space<vmem>>, vector<1x1xf32>
    tpu.vector_store %arg3[%swap3A, %swap3A_62], %reshape3A {strides = array<i32>} : memref<1x1xf32, #tpu.memory_space<vmem>>, vector<1x1xf32>,
    return
  }
}

</mosaic_0001>

<sc_bundles>
// kernel: kernel.4.cloned.1.call-start
scs
__scs_entry_jumppad:
0x0: {  	(pc) =	sbr.rel $0x88, $3  }
0x1: {  	(tag) =	ssettag $0x0;
	lr =	simm.s32 $0x1  }
0x2: {  	[smem:$0x3F9C] =	sst lr;
	_ =	strace $0xD0000000  }
0x3: {  	_ = 	snop  }
0x4: {  	_ = 	snop  }
0x5: {  	_ = 	snop  }
0x6: {  	_ = 	snop  }
0x7: {  	_ = 	snop  }
__scs_overlays_trampoline_lowered:
0x8: {  	[smem:$0x3FAB] =	sst s0  }
0x9: {  	[smem:$0x3FAC] =	sst s1  }
0xa: {  	[smem:$0x3FAD] =	sst s2  }
0xb: {  	[smem:$0x3FAE] =	sst s3  }
0xc: {  	[smem:$0x3FAF] =	sst s4  }
0xd: {  	[smem:$0x3FB0] =	sst s5  }
0xe: {  	[smem:$0x3FB1] =	sst s6  }
0xf: {  	[smem:$0x3FB2] =	sst s7  }
0x10: {  	[smem:$0x3FB3] =	sst s8  }
0x11: {  	[smem:$0x3FB4] =	sst s9;
	s0 =	simm.s32 @!p0 $0x0  }
0x12: {  	s1 =	sld [smem:$0x3F9A];
	s0 =	simm.s32 @p0 $0x1  }
0x13: {  	[smem:$0x3FB5] =	sst s0;
	s0 =	simm.s32 @!p1 $0x0  }
0x14: {  	s2 =	sld [smem:$0x3F99];
	s0 =	simm.s32 @p1 $0x1  }
0x15: {  	[smem:$0x3FB6] =	sst s0;
	s0 =	simm.s32 @!p2 $0x0  }
0x16: {  	s3 =	sld [smem:$0x3FDB];
	s0 =	simm.s32 @p2 $0x1  }
0x17: {  	s4 =	simm.s32 $0x1BF5;
	[smem:$0x3FB8] =	sst s0  }
0x18: {  	s0 =	sld [smem:$0x3F9B];
	_ =	swait.ge [sflag:s4], $0x0  }
0x19: {  	s7 =	sld [smem:$0x3F9C]  }
0x1a: {  	s8 =	sadd.s32 $0xFFFFE003, lr  }
0x1b: {  	s9 =	sadd.s32 $0xFFFFFEF7, lr;
	s5 =	simm.s32 $0xFFFFFFFF;
	p2 =	slt.u32 s8, $0xFFFFF086  }
0x1c: {  	p1 =	slt.u32 s9, $0xF7A;
	s5 =	simm.s32 @!p2 $0x0  }
0x1d: {  	s5 =	simm.s32 @p1 $0x1;
	p0 =	seq.s32 s7, s2  }
0x1e: {  	s7 =	smul.u32 @!p0 $0xF7A, s2;
	p2 =	seq.s32 @!p0 s5, $0x0  }
0x1f: {  	s9 =	smul.u32 $0xF7A, s1;
	s8 =	simm.s32 @!p0 $0x1BF5;
	p2 =	por !p2, p0  }
0x20: {  	[sflag:s8] =	ssyncset.s32 @!p0 $0xFFFFF086;
	s6 =	sadd.s32 @!p0 s3, s7;
	s7 =	simm.s32 @!p0 $0x108  }
0x21: {  	s3 =	sadd.s32 s3, s9;
	s6 =	sadd.s32 @!p0 $0x88, s6;
	s7 =	simm.s32 @p2 $0x1082  }
0x22: {  	[simem:s7], [sflag:s8] =	dma.local @!p0 [hbm:s6], $0xF7A  }
0x23: {  	s9 =	sor.u32 $0xD0000000, s2;
	s6 =	simm.s32 $0x108;
	_ =	swait.ge @!p0 [sflag:s8], $0x0  }
0x24: {  	s3 =	sadd.s32 $0x88, s3;
	s6 =	simm.s32 @!p1 $0x1082;
	[sflag:s4] =	ssyncset.s32 $0xFFFFF086  }
0x25: {  	[simem:s6], [sflag:s4] =	dma.local [hbm:s3], $0xF7A  }
0x26: {  	[smem:$0x3F9C] =	sst s1;
	(tag) =	ssettag s2;
	_ =	strace s9  }
0x27: {  	s1 =	sld [smem:$0x3FAC]  }
0x28: {  	s2 =	sld [smem:$0x3FAD]  }
0x29: {  	s4 =	sld [smem:$0x3FAF]  }
0x2a: {  	p0 =	seq.s32 s5, $0x0;
	s5 =	sld [smem:$0x3FB0]  }
0x2b: {  	s6 =	sld [smem:$0x3FB1]  }
0x2c: {  	s7 =	sld [smem:$0x3FB2]  }
0x2d: {  	s3 =	simm.s32 $0x108;
	s8 =	sld [smem:$0x3FB3]  }
0x2e: {  	s3 =	simm.s32 @!p0 $0x1082;
	s9 =	sld [smem:$0x3FB4]  }
0x2f: {  	lr =	sadd.s32 s0, s3;
	s0 =	sld [smem:$0x3FAB]  }
0x30: {  	s3 =	sld [smem:$0x3FAE]  }
0x31: {  	[smem:$0x3FB7] =	sst s10  }
0x32: {  	s10 =	sld [smem:$0x3FB5];
	_ =	sdelay $0x3  }
0x33: {  	p0 =	seq.s32 s10, $0x1;
	s10 =	sld [smem:$0x3FB7];
	_ =	sdelay $0x3  }
0x34: {  	[smem:$0x3FB7] =	sst s10  }
0x35: {  	s10 =	sld [smem:$0x3FB6];
	_ =	sdelay $0x3  }
0x36: {  	p1 =	seq.s32 s10, $0x1;
	s10 =	sld [smem:$0x3FB7];
	_ =	sdelay $0x3  }
0x37: {  	[smem:$0x3FB7] =	sst s10  }
0x38: {  	s10 =	sld [smem:$0x3FB8]  }
0x39: {  	_ = 	snop;
	(pc) =	sbr.ind lr, $3  }
0x3a: {  	_ = 	snop  }
0x3b: {  	_ = 	snop  }
0x3c: {  	p2 =	seq.s32 s10, $0x1;
	s10 =	sld [smem:$0x3FB7]  }
0x3d: {  	_ =	shalt  }
0x3e: {  	_ =	shalt  }
0x3f: {  	_ =	shalt  }
0x40: {  	_ =	shalt  }
0x41: {  	_ =	shalt  }
0x42: {  	_ =	shalt  }
0x43: {  	_ =	shalt  }
0x44: {  	_ =	shalt  }
0x45: {  	_ =	shalt  }
0x46: {  	_ =	shalt  }
0x47: {  	_ =	shalt  }
0x48: {  	_ =	shalt  }
0x49: {  	_ =	shalt  }
0x4a: {  	_ =	shalt  }
0x4b: {  	_ =	shalt  }
0x4c: {  	_ =	shalt  }
0x4d: {  	_ =	shalt  }
0x4e: {  	_ =	shalt  }
0x4f: {  	_ =	shalt  }
0x50: {  	_ =	shalt  }
0x51: {  	_ =	shalt  }
0x52: {  	_ =	shalt  }
0x53: {  	_ =	shalt  }
0x54: {  	_ =	shalt  }
0x55: {  	_ =	shalt  }
0x56: {  	_ =	shalt  }
0x57: {  	_ =	shalt  }
0x58: {  	_ =	shalt  }
0x59: {  	_ =	shalt  }
0x5a: {  	_ =	shalt  }
0x5b: {  	_ =	shalt  }
0x5c: {  	_ =	shalt  }
0x5d: {  	_ =	shalt  }
0x5e: {  	_ =	shalt  }
0x5f: {  	_ =	shalt  }
0x60: {  	_ =	shalt  }
0x61: {  	_ =	shalt  }
0x62: {  	_ =	shalt  }
0x63: {  	_ =	shalt  }
0x64: {  	_ =	shalt  }
0x65: {  	_ =	shalt  }
0x66: {  	_ =	shalt  }
0x67: {  	_ =	shalt  }
0x68: {  	_ =	shalt  }
0x69: {  	_ =	shalt  }
0x6a: {  	_ =	shalt  }
0x6b: {  	_ =	shalt  }
0x6c: {  	_ =	shalt  }
0x6d: {  	_ =	shalt  }
0x6e: {  	_ =	shalt  }
0x6f: {  	_ =	shalt  }
0x70: {  	_ =	shalt  }
0x71: {  	_ =	shalt  }
0x72: {  	_ =	shalt  }
0x73: {  	_ =	shalt  }
0x74: {  	_ =	shalt  }
0x75: {  	_ =	shalt  }
0x76: {  	_ =	shalt  }
0x77: {  	_ =	shalt  }
0x78: {  	_ =	shalt  }
0x79: {  	_ =	shalt  }
0x7a: {  	_ =	shalt  }
0x7b: {  	_ =	shalt  }
0x7c: {  	_ =	shalt  }
0x7d: {  	_ =	shalt  }
0x7e: {  	_ =	shalt  }
0x7f: {  	_ =	shalt  }
0x80: {  	_ =	shalt  }
0x81: {  	_ =	shalt  }
0x82: {  	_ =	shalt  }
0x83: {  	_ =	shalt  }
0x84: {  	_ =	shalt  }
0x85: {  	_ =	shalt  }
0x86: {  	_ =	shalt  }
0x87: {  	_ =	shalt  }
.Lfunc_end0:
.L_simem_size_0:
called_computation_lowered:
.L_overlay_start_0:
0x88: {  	s2 =	sld [smem:$0x3FD9]  }
0x89: {  	s3 =	sld [smem:$0x3FFE];
	_ =	sdelay $0x1  }
0x8a: {  	s1 =	srdreg.scid  }
0x8b: {  	s0 =	sand.u32 $0x1, s1  }
0x8c: {  	s17 =	sshll.u32 s0, $0xA;
	s2 =	sadd.s32 s3, s2  }
0x8d: {  	s2 =	sadd.s32 s2, s17  }
0x8e: {  	[smem:$0x3FC3] =	sst s2  }
0x8f: {  	_ = 	snop  }
0x90: {  	s2 =	sld [smem:$0x3FC7]  }
0x91: {  	s18 =	sld [smem:$0x3FC6];
	(tm) =	ssettm $0x1  }
0x92: {  	s4 =	sld [smem:$0x3FFB];
	_ =	sdelay $0x3  }
0x93: {  	_ =	strace s4  }
0x94: {  	s4 =	sld [smem:$0x3FFC];
	_ =	sdelay $0x3  }
0x95: {  	_ =	strace s4  }
0x96: {  	s4 =	sld [smem:$0x3FFD];
	_ =	sdelay $0x3  }
0x97: {  	_ =	strace s4  }
0x98: {  	_ =	strace $0x8FFFFFFF  }
0x99: {  	s19 =	sld [smem:$0x3FDB];
	_ =	sdelay $0x1  }
0x9a: {  	s5 =	simm.s32 $_scs_section_size  }
0x9b: {  	s6 =	simm.s32 $_size__tile_overlayer_lowered;
	s7 =	simm.s32 $_tile_overlayer_lowered  }
0x9c: {  	s22 =	simm.s32 $0x1BFF;
	s21 =	sshll.u32 s7, $0x1;
	s4 =	sadd.s32 s5, s19  }
0x9d: {  	s8 =	simm.s32 $0x0;
	s20 =	sshll.u32 s6, $0x1;
	s6 =	sadd.s32 s21, s4  }
0x9e: {  	[timem:s8], [sflag:s22] =	dma.local [hbm:s6], s20  }
0x9f: {  	_ =	swait.ge [sflag:s22], s20  }
0xa0: {  	s5 =	ssub.s32 $0x0, s20;
	[sflag:s22] =	ssyncset.done $0x0  }
0xa1: {  	[sflag:s22] =	ssyncadd.s32 s5;
	_ =	sdelay $0x1  }
0xa2: {  	s23 =	simm.s32 $0x1B8B  }
0xa3: {  	_ =	swait.ge [sflag:s23], $0x1  }
0xa4: {  	[sflag:s23] =	ssyncset.done $0x0  }
0xa5: {  	s25 =	simm.s32 $0x1B8E;
	s24 =	sld [smem:$0x3FFE];
	[sflag:s23] =	ssyncadd.s32 $0xFFFFFFFF  }
0xa6: {  	s26 =	simm.s32 $execute0_lowered;
	[smem:$0x3FD2] =	sst s25  }
0xa7: {  	s6 =	sshll.u32 s26, $0x1;
	_ =	strace $0x80000046;
	[dreg:$0x1] =	wrdreg $0xFFFFFFFF  }
0xa8: {  	s28 =	simm.s32 $_size_execute0_lowered;
	s4 =	sadd.s32 s4, s6;
	[dreg:$0x0] =	wrdreg $0x0  }
0xa9: {  	s6 =	sshll.u32 s28, $0x1;
	[dreg:$0x2] =	wrdreg s4  }
0xaa: {  	[dreg:$0x3] =	wrdreg s6  }
0xab: {  	[dreg:$0x4] =	wrdreg $0xC0  }
0xac: {  	_ =	task [dreg:s8], $0x5FFFF  }
0xad: {  	[dreg:$0x1] =	wrdreg $0xFFFFFFFF  }
0xae: {  	[dreg:$0x0] =	wrdreg $0x60  }
0xaf: {  	[dreg:$0x2] =	wrdreg s24  }
0xb0: {  	[dreg:$0x3] =	wrdreg s2  }
0xb1: {  	[dreg:$0x4] =	wrdreg s18  }
0xb2: {  	[dreg:$0x5] =	wrdreg $0x84000  }
0xb3: {  	[dreg:$0x6] =	wrdreg $0x9  }
0xb4: {  	_ =	task.clear_ibuf [dreg:s8], $0x7FFFF;
	_ =	strace $0x90000046  }
0xb5: {  	s29 =	simm.s32 $0x9;
	_ =	strace $0x80000048  }
0xb6: {  	_ =	swait.ge [sflag:s29], $0x1  }
0xb7: {  	[sflag:s29] =	ssyncadd.s32 $0xFFFFFFFF  }
0xb8: {  	_ =	strace $0x90000048  }
0xb9: {  	_ =	sfence  }
0xba: {  	s30 =	sld [smem:$0x0];
	_ =	sdelay $0x2  }
0xbb: {  	s31 =	sshll.u32 s1, $0xD;
	s1 =	sshrl.u32 s1, $0x2  }
0xbc: {  	s3 =	sand.u32 $0x4000, s31;
	s1 =	sadd.s32 s1, s30  }
0xbd: {  	s0 =	sor.u32 s3, s0;
	s1 =	sshll.u32 s1, $0x11  }
0xbe: {  	s0 =	sor.u32 s1, s0  }
0xbf: {  	s0 =	sadd.s32 $0x8F2B, s0  }
0xc0: {  	[sflag:s0] =	ssyncadd.remote.s32 $0x1  }
0xc1: {  	_ =	sfence.sel $0xFFFF  }
0xc2: {  	[dreg:$0x0] =	wrdreg $0xFFFFFFFF;
	(pc) =	sbr.abs _section_cstart, $3  }
0xc3: {  	[dreg:$0x1] =	wrdreg $0xFFFFFFFF  }
0xc4: {  	_ =	task.clear_ibuf [dreg:s8], $0x2FFFF;
	_ =	strace $0x9FFFFFFF  }
0xc5: {  	(tm) =	ssettm $0x7FFFFFFF  }
tec
execute0_lowered:
.L_overlay_start_1:
0x0: {  	(tag) =	ssettag $0x1  }
0x1: {  	s0 =	rddreg [dreg:$0x0]  }
0x2: {  	s1 =	rddreg [dreg:$0x1]  }
0x3: {  	s6 =	rddreg [dreg:$0x2];
	s3 =	srdreg.scid  }
0x4: {  	s10 =	stileid.u32;
	s2 =	rddreg [dreg:$0x3]  }
0x5: {  	s16 =	simm.s32 $0x5;
	s17 =	simm.s32 $0x200;
	s18 =	simm.s32 $0x80  }
0x6: {  	s19 =	simm.s32 $0x400;
	s20 =	simm.s32 $0x2400;
	s22 =	simm.s32 $0x4400  }
0x7: {  	s28 =	simm.s32 $0x15400;
	s29 =	simm.s32 $0x2;
	s30 =	simm.s32 $0x17400  }
0x8: {  	s31 =	simm.s32 $0x4;
	s21 =	simm.s32 $0x0;
	s7 =	sand.u32 $0x1, s3  }
0x9: {  	s4 =	sshll.u32 s10, $0x1;
	s3 =	simm.s32 $0x0;
	s5 =	sadd.s32 $0xF43400, s0  }
0xa: {  	s23 =	sadd.s32 $0x15000, s0;
	s26 =	sshll.u32 s10, $0xF;
	s8 =	sor.u32 s7, s4  }
0xb: {  	[smem:$0x7FF] =	sst s3;
	s4 =	sadd.s32 $0x16E4600, s0;
	s7 =	ssub.s32 $0x2, s7  }
0xc: {  	s9 =	smul.u32 $0x500, s8;
	_ =	strace $0x80000047;
	[dreg:$0x5] =	wrdreg s23  }
0xd: {  	s24 =	sshll.u32 s8, $0xC;
	s25 =	sshrl.u32 s7, $0x1;
	s8 =	sshll.u32 s8, $0x6  }
0xe: {  	s15 =	ssub.s32 s7, s25;
	s1 =	sadd.s32 s1, s8;
	s6 =	sadd.s32 s6, s8  }
0xf: {  	s25 =	simm.s32 $0x10400;
	s11 =	sadd.s32 s9, s0;
	[dreg:$0x6] =	wrdreg s1  }
0x10: {  	s0 =	sadd.s32 s24, s0;
	[dreg:$0x7] =	wrdreg s6;
	s9 =	sadd.s32 s26, s2  }
0x11: {  	s15 =	smax.u32 s15, $0x1;
	s24 =	simm.s32 $0x6400;
	s1 =	simm.s32 $0x3  }
0x12: {  	s26 =	simm.s32 $0x1;
	s10 =	sadd.s32 $0x1000, s11;
	s11 =	sadd.s32 $0xB000, s11  }
0x13: {  	s12 =	sadd.s32 $0x56000, s0;
	s13 =	sadd.s32 $0x16000, s0;
	s14 =	sadd.s32 $0x36000, s0  }
.LBB2_1:
0x14: {  	s0 =	rddreg [dreg:$0x6]  }
0x15: {  	[tilespmem:s3], [sflag:$0x5] =	stream.linear.gather [hbm4b:s0+s3], $0x200, $0x38;
	[tilespmem:$0x19400] =	vst v63  }
0x16: {  	_ =	swait.ge [sflag:s16], $0x200  }
0x17: {  	[sflag:s16] =	ssyncset.done $0x0  }
0x18: {  	s8 =	rddreg [dreg:$0x7];
	[sflag:s16] =	ssyncadd.s32 $0xFFFFFE00  }
0x19: {  	[tilespmem:s17], [sflag:$0x5] =	stream.linear.gather [hbm4b:s8+s3], $0x200, $0x38;
	[tilespmem:$0x19400] =	vst v63  }
0x1a: {  	_ =	swait.ge [sflag:s16], $0x200  }
0x1b: {  	[sflag:s16] =	ssyncset.done $0x0  }
0x1c: {  	[sflag:s16] =	ssyncadd.s32 $0xFFFFFE00  }
0x1d: {  	[tilespmem:s19], [sflag:$0x1] =	stream.indirect.gather [hbm4b:s4+s18], $0x40, s3, s18, $0xb8;
	[tilespmem:$0x19400] =	vst v63  }
0x1e: {  	_ = 	snop  }
0x1f: {  	[tilespmem:s20], [sflag:$0x1] =	stream.indirect.gather [hbm4b:s4+s18], $0x40, s18, s18, $0xb8;
	[tilespmem:$0x19400] =	vst v63  }
0x20: {  	s23 =	simm.s32 $0x100;
	s7 =	stileid.u32  }
0x21: {  	[tilespmem:s22], [sflag:$0x1] =	stream.indirect.gather [hbm4b:s4+s18], $0x40, s23, s18, $0xb8;
	[tilespmem:$0x19400] =	vst v63  }
0x22: {  	s6 =	simm.s32 $0x180;
	s0 =	sshll.u32 s7, $0x6  }
0x23: {  	[tilespmem:s24], [sflag:$0x1] =	stream.indirect.gather [hbm4b:s4+s18], $0x40, s6, s18, $0xb8;
	[tilespmem:$0x19400] =	vst v63  }
0x24: {  	s23 =	sor.u32 $0x1C05, s0;
	s0 =	sshrl.u32 s9, $0x3;
	s6 =	rddreg [dreg:$0x5]  }
0x25: {  	[spmem:s0], [sflag:s23] =	dma.local [hbm:s6], $0x1000  }
0x26: {  	_ =	swait.ge [sflag:s16], $0x1000  }
0x27: {  	[sflag:s16] =	ssyncset.done $0x0  }
0x28: {  	[sflag:s16] =	ssyncadd.s32 $0xFFFFF000  }
0x29: {  	[tilespmem:s25], [sflag:$0x5] =	stream.linear.gather [hbm4b:s10+s3], $0x2800, $0x38;
	[tilespmem:$0x19400] =	vst v63  }
0x2a: {  	_ =	swait.ge [sflag:s16], $0x2800  }
0x2b: {  	[sflag:s16] =	ssyncset.done $0x0  }
0x2c: {  	s8 =	simm.s32 $0x12C00;
	[sflag:s16] =	ssyncadd.s32 $0xFFFFD800  }
0x2d: {  	[tilespmem:s8], [sflag:$0x5] =	stream.linear.gather [hbm4b:s11+s3], $0x2800, $0x38;
	[tilespmem:$0x19400] =	vst v63  }
0x2e: {  	_ =	swait.ge [sflag:s16], $0x2800  }
0x2f: {  	[sflag:s16] =	ssyncset.done $0x0  }
0x30: {  	[sflag:s16] =	ssyncadd.s32 $0xFFFFD800  }
0x31: {  	[bflag:$0x0] =	sbarrier.arrive $0xFFFF  }
0x32: {  	[tilespmem:s28], [sflag:$0x2] =	stream.indirect.gather [hbm4b:s5+s18], $0x40, s25, s18, $0xb8;
	[tilespmem:$0x19400] =	vst v63  }
0x33: {  	_ =	swait.ge [sflag:s29], $0x2000  }
0x34: {  	[sflag:s29] =	ssyncset.done $0x0  }
0x35: {  	s7 =	simm.s32 $0x10480;
	[sflag:s29] =	ssyncadd.s32 $0xFFFFE000  }
0x36: {  	[tilespmem:s30], [sflag:$0x3] =	stream.indirect.gather [hbm4b:s5+s18], $0x40, s7, s18, $0xb8;
	[tilespmem:$0x19400] =	vst v63  }
0x37: {  	s8 =	simm.s32 $0x12C00  }
0x38: {  	[spmem:s2] =	stream.indirect.scatter.add.f32 [tilespmem:s28], [sflag:$0x4], $0x40, s8, s18, $0xb8;
	[tilespmem:$0x19400] =	vst v63  }
0x39: {  	_ =	swait.ge [sflag:s31], $0x2000  }
0x3a: {  	[sflag:s31] =	ssyncset.done $0x0  }
0x3b: {  	[sflag:s31] =	ssyncadd.s32 $0xFFFFE000  }
0x3c: {  	_ =	swait.ge [sflag:s1], $0x2000  }
0x3d: {  	[sflag:s1] =	ssyncset.done $0x0  }
0x3e: {  	s7 =	simm.s32 $0x10500;
	[sflag:s1] =	ssyncadd.s32 $0xFFFFE000  }
0x3f: {  	[tilespmem:s28], [sflag:$0x2] =	stream.indirect.gather [hbm4b:s5+s18], $0x40, s7, s18, $0xb8;
	[tilespmem:$0x19400] =	vst v63  }
0x40: {  	s8 =	simm.s32 $0x12C80  }
0x41: {  	[spmem:s2] =	stream.indirect.scatter.add.f32 [tilespmem:s30], [sflag:$0x4], $0x40, s8, s18, $0xb8;
	[tilespmem:$0x19400] =	vst v63  }
0x42: {  	_ =	swait.ge [sflag:s31], $0x2000  }
0x43: {  	s6 =	simm.s32 $0x400;
	[sflag:s31] =	ssyncset.done $0x0  }
.LBB2_2:
0x44: {  	p0 =	sne.s32 s6, $0x4800  }
0x45: {  	[sflag:s31] =	ssyncadd.s32 $0xFFFFE000;
	s7 =	smov.u32 s6;
	s6 =	sadd.s32 $0x400, s6  }
0x46: {  	_ = 	snop  }
0x47: {  	_ =	swait.ge [sflag:s29], $0x2000  }
0x48: {  	s7 =	sshra.s32 s7, $0x2;
	[sflag:s29] =	ssyncset.done $0x0  }
0x49: {  	s8 =	sadd.s32 $0x10480, s7;
	[sflag:s29] =	ssyncadd.s32 $0xFFFFE000  }
0x4a: {  	[tilespmem:s30], [sflag:$0x3] =	stream.indirect.gather [hbm4b:s5+s18], $0x40, s8, s18, $0xb8;
	[tilespmem:$0x19400] =	vst v63  }
0x4b: {  	s8 =	sadd.s32 $0x12C00, s7  }
0x4c: {  	[spmem:s2] =	stream.indirect.scatter.add.f32 [tilespmem:s28], [sflag:$0x4], $0x40, s8, s18, $0xb8;
	[tilespmem:$0x19400] =	vst v63  }
0x4d: {  	_ =	swait.ge [sflag:s31], $0x2000  }
0x4e: {  	[sflag:s31] =	ssyncset.done $0x0  }
0x4f: {  	[sflag:s31] =	ssyncadd.s32 $0xFFFFE000  }
0x50: {  	_ =	swait.ge [sflag:s1], $0x2000  }
0x51: {  	[sflag:s1] =	ssyncset.done $0x0  }
0x52: {  	s8 =	sadd.s32 $0x10500, s7;
	[sflag:s1] =	ssyncadd.s32 $0xFFFFE000  }
0x53: {  	[tilespmem:s28], [sflag:$0x2] =	stream.indirect.gather [hbm4b:s5+s18], $0x40, s8, s18, $0xb8;
	[tilespmem:$0x19400] =	vst v63  }
.Ltmp0:
0x54: {  	_ = 	snop;
	(pc) =	sbr.rel @p0 .LBB2_2-.Ltmp0, $4  }
0x55: {  	s7 =	sadd.s32 $0x12C80, s7  }
0x56: {  	[spmem:s2] =	stream.indirect.scatter.add.f32 [tilespmem:s30], [sflag:$0x4], $0x40, s7, s18, $0xb8;
	[tilespmem:$0x19400] =	vst v63  }
0x57: {  	_ =	swait.ge [sflag:s31], $0x2000  }
0x58: {  	[sflag:s31] =	ssyncset.done $0x0  }
0x59: {  	[sflag:s31] =	ssyncadd.s32 $0xFFFFE000  }
0x5a: {  	_ =	swait.ge [sflag:s29], $0x2000  }
0x5b: {  	[sflag:s29] =	ssyncset.done $0x0  }
0x5c: {  	s6 =	simm.s32 $0x11780;
	[sflag:s29] =	ssyncadd.s32 $0xFFFFE000  }
0x5d: {  	[tilespmem:s30], [sflag:$0x3] =	stream.indirect.gather [hbm4b:s5+s18], $0x40, s6, s18, $0xb8;
	[tilespmem:$0x19400] =	vst v63  }
0x5e: {  	s7 =	simm.s32 $0x13F00  }
0x5f: {  	[spmem:s2] =	stream.indirect.scatter.add.f32 [tilespmem:s28], [sflag:$0x4], $0x40, s7, s18, $0xb8;
	[tilespmem:$0x19400] =	vst v63  }
0x60: {  	_ =	swait.ge [sflag:s31], $0x2000  }
0x61: {  	[sflag:s31] =	ssyncset.done $0x0  }
0x62: {  	[sflag:s31] =	ssyncadd.s32 $0xFFFFE000  }
0x63: {  	_ =	swait.ge [sflag:s1], $0x2000  }
0x64: {  	[sflag:s1] =	ssyncset.done $0x0  }
0x65: {  	s8 =	simm.s32 $0x13F80;
	[sflag:s1] =	ssyncadd.s32 $0xFFFFE000  }
0x66: {  	[spmem:s2] =	stream.indirect.scatter.add.f32 [tilespmem:s30], [sflag:$0x4], $0x40, s8, s18, $0xb8;
	[tilespmem:$0x19400] =	vst v63  }
0x67: {  	_ =	swait.ge [sflag:s31], $0x2000  }
0x68: {  	[sflag:s31] =	ssyncset.done $0x0  }
0x69: {  	[sflag:s31] =	ssyncadd.s32 $0xFFFFE000  }
0x6a: {  	_ =	swait.ge [sflag:s26], $0x2000  }
0x6b: {  	[sflag:s26] =	ssyncset.done $0x0  }
0x6c: {  	[sflag:s26] =	ssyncadd.s32 $0xFFFFE000  }
0x6d: {  	_ =	swait.ge [sflag:s26], $0x2000  }
0x6e: {  	[sflag:s26] =	ssyncset.done $0x0  }
0x6f: {  	[sflag:s26] =	ssyncadd.s32 $0xFFFFE000  }
0x70: {  	_ =	swait.ge [sflag:s26], $0x2000  }
0x71: {  	[sflag:s26] =	ssyncset.done $0x0  }
0x72: {  	[sflag:s26] =	ssyncadd.s32 $0xFFFFE000  }
0x73: {  	_ =	swait.ge [sflag:s26], $0x2000  }
0x74: {  	[sflag:s26] =	ssyncset.done $0x0  }
0x75: {  	[sflag:s26] =	ssyncadd.s32 $0xFFFFE000  }
0x76: {  	[hbm4b:s12+s3] =	stream.linear.scatter [tilespmem:s19], [sflag:$0x5], $0x8000, $0x38;
	[tilespmem:$0x19400] =	vst v63  }
0x77: {  	_ =	swait.ge [sflag:s16], $0x8000  }
0x78: {  	[sflag:s16] =	ssyncset.done $0x0  }
0x79: {  	[sflag:s16] =	ssyncadd.s32 $0xFFFF8000  }
0x7a: {  	[tilespmem:s19], [sflag:$0x1] =	stream.indirect.gather [hbm4b:s5+s18], $0x40, s17, s18, $0xb8;
	[tilespmem:$0x19400] =	vst v63  }
0x7b: {  	s7 =	simm.s32 $0x280  }
0x7c: {  	[tilespmem:s20], [sflag:$0x1] =	stream.indirect.gather [hbm4b:s5+s18], $0x40, s7, s18, $0xb8;
	[tilespmem:$0x19400] =	vst v63  }
0x7d: {  	s8 =	simm.s32 $0x300  }
0x7e: {  	[tilespmem:s22], [sflag:$0x1] =	stream.indirect.gather [hbm4b:s5+s18], $0x40, s8, s18, $0xb8;
	[tilespmem:$0x19400] =	vst v63  }
0x7f: {  	s7 =	simm.s32 $0x380  }
0x80: {  	[tilespmem:s24], [sflag:$0x1] =	stream.indirect.gather [hbm4b:s5+s18], $0x40, s7, s18, $0xb8;
	[tilespmem:$0x19400] =	vst v63  }
0x81: {  	s8 =	simm.s32 $0x11800  }
0x82: {  	[tilespmem:s28], [sflag:$0x2] =	stream.indirect.gather [hbm4b:s5+s18], $0x40, s8, s18, $0xb8;
	[tilespmem:$0x19400] =	vst v63  }
0x83: {  	_ =	swait.ge [sflag:s29], $0x2000  }
0x84: {  	[sflag:s29] =	ssyncset.done $0x0  }
0x85: {  	s7 =	simm.s32 $0x11880;
	[sflag:s29] =	ssyncadd.s32 $0xFFFFE000  }
0x86: {  	[tilespmem:s30], [sflag:$0x3] =	stream.indirect.gather [hbm4b:s5+s18], $0x40, s7, s18, $0xb8;
	[tilespmem:$0x19400] =	vst v63  }
0x87: {  	s8 =	simm.s32 $0x14000  }
0x88: {  	[spmem:s2] =	stream.indirect.scatter.add.f32 [tilespmem:s28], [sflag:$0x4], $0x40, s8, s18, $0xb8;
	[tilespmem:$0x19400] =	vst v63  }
0x89: {  	_ =	swait.ge [sflag:s31], $0x2000  }
0x8a: {  	[sflag:s31] =	ssyncset.done $0x0  }
0x8b: {  	[sflag:s31] =	ssyncadd.s32 $0xFFFFE000  }
0x8c: {  	_ =	swait.ge [sflag:s1], $0x2000  }
0x8d: {  	[sflag:s1] =	ssyncset.done $0x0  }
0x8e: {  	s7 =	simm.s32 $0x11900;
	[sflag:s1] =	ssyncadd.s32 $0xFFFFE000  }
0x8f: {  	[tilespmem:s28], [sflag:$0x2] =	stream.indirect.gather [hbm4b:s5+s18], $0x40, s7, s18, $0xb8;
	[tilespmem:$0x19400] =	vst v63  }
0x90: {  	s8 =	simm.s32 $0x14080  }
0x91: {  	[spmem:s2] =	stream.indirect.scatter.add.f32 [tilespmem:s30], [sflag:$0x4], $0x40, s8, s18, $0xb8;
	[tilespmem:$0x19400] =	vst v63  }
0x92: {  	_ =	swait.ge [sflag:s31], $0x2000  }
0x93: {  	s6 =	simm.s32 $0xFFFFB800;
	[sflag:s31] =	ssyncset.done $0x0  }
.LBB2_4:
0x94: {  	p0 =	sne.s32 s6, $0xFFFFFC00  }
0x95: {  	[sflag:s31] =	ssyncadd.s32 $0xFFFFE000;
	s7 =	smov.u32 s6;
	s6 =	sadd.s32 $0x400, s6  }
0x96: {  	_ = 	snop  }
0x97: {  	_ =	swait.ge [sflag:s29], $0x2000  }
0x98: {  	s7 =	sshra.s32 s7, $0x2;
	[sflag:s29] =	ssyncset.done $0x0  }
0x99: {  	s8 =	sadd.s32 $0x12B80, s7;
	[sflag:s29] =	ssyncadd.s32 $0xFFFFE000  }
0x9a: {  	[tilespmem:s30], [sflag:$0x3] =	stream.indirect.gather [hbm4b:s5+s18], $0x40, s8, s18, $0xb8;
	[tilespmem:$0x19400] =	vst v63  }
0x9b: {  	s8 =	sadd.s32 $0x15300, s7  }
0x9c: {  	[spmem:s2] =	stream.indirect.scatter.add.f32 [tilespmem:s28], [sflag:$0x4], $0x40, s8, s18, $0xb8;
	[tilespmem:$0x19400] =	vst v63  }
0x9d: {  	_ =	swait.ge [sflag:s31], $0x2000  }
0x9e: {  	[sflag:s31] =	ssyncset.done $0x0  }
0x9f: {  	[sflag:s31] =	ssyncadd.s32 $0xFFFFE000  }
0xa0: {  	_ =	swait.ge [sflag:s1], $0x2000  }
0xa1: {  	[sflag:s1] =	ssyncset.done $0x0  }
0xa2: {  	s8 =	sadd.s32 $0x12C00, s7;
	[sflag:s1] =	ssyncadd.s32 $0xFFFFE000  }
0xa3: {  	[tilespmem:s28], [sflag:$0x2] =	stream.indirect.gather [hbm4b:s5+s18], $0x40, s8, s18, $0xb8;
	[tilespmem:$0x19400] =	vst v63  }
.Ltmp1:
0xa4: {  	_ = 	snop;
	(pc) =	sbr.rel @p0 .LBB2_4-.Ltmp1, $4  }
0xa5: {  	s7 =	sadd.s32 $0x15380, s7  }
0xa6: {  	[spmem:s2] =	stream.indirect.scatter.add.f32 [tilespmem:s30], [sflag:$0x4], $0x40, s7, s18, $0xb8;
	[tilespmem:$0x19400] =	vst v63  }
0xa7: {  	_ =	swait.ge [sflag:s31], $0x2000  }
0xa8: {  	[sflag:s31] =	ssyncset.done $0x0  }
0xa9: {  	[sflag:s31] =	ssyncadd.s32 $0xFFFFE000  }
0xaa: {  	_ =	swait.ge [sflag:s29], $0x2000  }
0xab: {  	[sflag:s29] =	ssyncset.done $0x0  }
0xac: {  	s6 =	simm.s32 $0x12B80;
	[sflag:s29] =	ssyncadd.s32 $0xFFFFE000  }
0xad: {  	[tilespmem:s30], [sflag:$0x3] =	stream.indirect.gather [hbm4b:s5+s18], $0x40, s6, s18, $0xb8;
	[tilespmem:$0x19400] =	vst v63  }
0xae: {  	s7 =	simm.s32 $0x15300  }
0xaf: {  	[spmem:s2] =	stream.indirect.scatter.add.f32 [tilespmem:s28], [sflag:$0x4], $0x40, s7, s18, $0xb8;
	[tilespmem:$0x19400] =	vst v63  }
0xb0: {  	_ =	swait.ge [sflag:s31], $0x2000  }
0xb1: {  	[sflag:s31] =	ssyncset.done $0x0  }
0xb2: {  	[sflag:s31] =	ssyncadd.s32 $0xFFFFE000  }
0xb3: {  	_ =	swait.ge [sflag:s1], $0x2000  }
0xb4: {  	[sflag:s1] =	ssyncset.done $0x0  }
0xb5: {  	s8 =	simm.s32 $0x15380;
	[sflag:s1] =	ssyncadd.s32 $0xFFFFE000  }
0xb6: {  	[spmem:s2] =	stream.indirect.scatter.add.f32 [tilespmem:s30], [sflag:$0x4], $0x40, s8, s18, $0xb8;
	[tilespmem:$0x19400] =	vst v63  }
0xb7: {  	_ =	swait.ge [sflag:s31], $0x2000  }
0xb8: {  	[sflag:s31] =	ssyncset.done $0x0  }
0xb9: {  	[sflag:s31] =	ssyncadd.s32 $0xFFFFE000  }
0xba: {  	[bflag:$0x0] =	sbarrier.arrive $0xFFFF  }
0xbb: {  	[hbm:s13], [sflag:s23] =	dma.local [spmem:s0], $0x1000  }
0xbc: {  	_ =	swait.ge [sflag:s16], $0x1000  }
0xbd: {  	[sflag:s16] =	ssyncset.done $0x0  }
0xbe: {  	[sflag:s16] =	ssyncadd.s32 $0xFFFFF000  }
0xbf: {  	_ =	swait.ge [sflag:s26], $0x2000  }
0xc0: {  	[sflag:s26] =	ssyncset.done $0x0  }
0xc1: {  	[sflag:s26] =	ssyncadd.s32 $0xFFFFE000  }
0xc2: {  	_ =	swait.ge [sflag:s26], $0x2000  }
0xc3: {  	[sflag:s26] =	ssyncset.done $0x0  }
0xc4: {  	[sflag:s26] =	ssyncadd.s32 $0xFFFFE000  }
0xc5: {  	_ =	swait.ge [sflag:s26], $0x2000  }
0xc6: {  	[sflag:s26] =	ssyncset.done $0x0  }
0xc7: {  	[sflag:s26] =	ssyncadd.s32 $0xFFFFE000  }
0xc8: {  	s21 =	sadd.s32 $0x1, s21;
	_ =	swait.ge [sflag:s26], $0x2000  }
0xc9: {  	p0 =	sne.s32 s21, s15;
	[sflag:s26] =	ssyncset.done $0x0  }
.Ltmp2:
0xca: {  	[sflag:s26] =	ssyncadd.s32 $0xFFFFE000;
	(pc) =	sbr.rel @p0 .LBB2_1-.Ltmp2, $4  }
0xcb: {  	[hbm4b:s14+s3] =	stream.linear.scatter [tilespmem:s19], [sflag:$0x5], $0x8000, $0x38;
	[tilespmem:$0x19400] =	vst v63  }
0xcc: {  	_ =	swait.ge [sflag:s16], $0x8000  }
0xcd: {  	[sflag:s16] =	ssyncset.done $0x0  }
0xce: {  	[sflag:s16] =	ssyncadd.s32 $0xFFFF8000  }
0xcf: {  	_ =	sfence.sel $0x180000  }
0xd0: {  	[bflag:$0x0] =	sbarrier.arrive $0xFFFF  }
0xd1: {  	_ =	strace $0x90000047  }
0xd2: {  	s0 =	stileid.u32;
	[bflag:$0x2] =	sbarrier.arrive $0xFFFF  }
0xd3: {  	p0 =	sne.s32 s0, $0x0;
	s0 =	rddreg [dreg:$0x4]  }
0xd4: {  	s0 =	sadd.s32 @!p0 $0x100000, s0  }
0xd5: {  	[sflag:s0] =	ssyncadd.tile.s32 @!p0 $0x1;
	_ =	shalt  }
.Lfunc_end2:
_tile_overlayer_lowered:
.L_overlay_start_2:
0xd6: {  	(tag) =	ssettag $0x2  }
0xd7: {  	s0 =	rddreg [dreg:$0x0];
	s2 =	stileid.u32  }
0xd8: {  	s1 =	rddreg [dreg:$0x1];
	p0 =	sne.s32 s2, $0x0  }
0xd9: {  	s3 =	rddreg [dreg:$0x2];
	[bflag:$0x3] =	sbarrier.arrive $0xFFFF;
	s2 =	simm.s32 @!p0 $0x1C05  }
0xda: {  	[timem:s3], [sflag:s2] =	dma.local @!p0 [hbm:s0], s1  }
0xdb: {  	s0 =	simm.s32 @!p0 $0x5  }
0xdc: {  	_ =	swait.ge @!p0 [sflag:s0], s1  }
0xdd: {  	s1 =	ssub.s32 @!p0 $0x0, s1;
	[sflag:s0] =	ssyncset.done @!p0 $0x0  }
0xde: {  	[sflag:s0] =	ssyncadd.s32 @!p0 s1  }
0xdf: {  	[bflag:$0x3] =	sbarrier.arrive $0xFFFF  }
0xe0: {  	_ =	shalt  }

</sc_bundles>
